<compile_context>
chip_gen: v7x
topology: tpu7x:2x2x1
jax: 0.10.2.dev20260603
libtpu: 0.0.44.dev20260713+nightly
codegen_flags: <defaults>
</compile_context>

<pallas_src>
import jax
import jax.numpy as jnp
from jax import lax
from jax.experimental import pallas as pl
from jax.experimental.pallas import tpu as pltpu
from jax.experimental.pallas import tpu_sc as plsc

VOCAB = 100000
EMB = 64
CLS = 4
BATCH = 4096
HIST = 200

LANES = 16
NWORKERS = 32
ITEMS = BATCH // NWORKERS

VP = 102400
N16 = VP // 16
ICHUNK = 3200
BN = 25600

NSLOTS = 8
NGROUPS = HIST // NSLOTS
ROWPAD = 208
ROWW = 8




def _project_body(w_ref, t_ref, o0, o1, o2, o3):
    o = jax.lax.dot_general(
        w_ref[...],
        t_ref[...],
        (((1,), (0,)), ((), ())),
        preferred_element_type=jnp.float32,
    )
    for c, o_ref in enumerate((o0, o1, o2, o3)):
        o_ref[...] = o[c, :]


def _project(w8, t_t):
    grid = VP // BN
    out = jax.ShapeDtypeStruct((VP,), jnp.float32)
    return pl.pallas_call(
        _project_body,
        grid=(grid,),
        in_specs=[
            pl.BlockSpec((8, EMB), lambda i: (0, 0)),
            pl.BlockSpec((EMB, BN), lambda i: (0, i)),
        ],
        out_specs=[pl.BlockSpec((BN,), lambda i: (i,)) for _ in range(CLS)],
        out_shape=[out, out, out, out],
    )(w8, t_t)




def _sc_body(p0, p1, p2, p3, data_hbm, out_hbm,
             rowidx_v, idx_v, cols_v, ichunk_v, accs, shared, sems, ilsem):
    wid = lax.axis_index("s") * 2 + lax.axis_index("c")
    sid = lax.axis_index("s")
    base = wid * ITEMS

    for k in range(ROWPAD // 16):
        r = jnp.minimum(
            (lax.iota(jnp.int32, 16) + 16 * k) * NWORKERS + wid,
            BATCH * HIST // 128 - 1,
        )
        rowidx_v[pl.ds(16 * k, 16)] = r
    pltpu.async_copy(data_hbm.at[rowidx_v], idx_v, sems[0])

    for h in range(N16 // ICHUNK):
        vb = sid * N16 + h * ICHUNK
        for c, src in enumerate((p0, p1, p2, p3)):
            pltpu.async_copy(src.at[pl.ds(vb, ICHUNK)], cols_v.at[c], ilsem)
        for c in range(CLS):
            pltpu.make_async_copy(p0.at[pl.ds(vb, ICHUNK)], cols_v.at[c], ilsem).wait()
        for c in range(CLS):
            ccol = jnp.full((16,), c, jnp.int32)

            @pl.loop(0, ICHUNK // LANES, unroll=4)
            def _(k):
                rows = lax.iota(jnp.int32, 16) + k * LANES
                vals = cols_v[c, pl.ds(k * LANES, LANES)]
                plsc.store_scatter(ichunk_v, [rows, ccol], vals)

        pltpu.sync_copy(ichunk_v, shared.at[pl.ds(vb, ICHUNK)])

    plsc.subcore_barrier()
    pltpu.make_async_copy(data_hbm.at[rowidx_v], idx_v, sems[0]).wait()

    for g in range(NSLOTS):
        pltpu.async_copy(shared.at[idx_v.at[g]], accs[g], sems[g])

    @pl.loop(1, NGROUPS)
    def _(i):
        for g in range(NSLOTS):
            l = i * NSLOTS + g
            pltpu.make_async_copy(shared.at[idx_v.at[g]], accs[g], sems[g]).wait()
            pltpu.async_copy(shared.at[idx_v.at[l]], accs[g], sems[g], add=True)

    for g in range(NSLOTS):
        pltpu.make_async_copy(shared.at[idx_v.at[g]], accs[g], sems[g]).wait()

    @pl.loop(0, ITEMS * ROWW // 16)
    def _(k):
        q = lax.iota(jnp.int32, 16) + k * 16
        rows = lax.shift_right_logical(q, 3)
        ccs = lax.bitwise_and(q, 7)
        tot = plsc.load_gather(accs[0], [rows, ccs])
        for g in range(1, NSLOTS):
            tot = tot + plsc.load_gather(accs[g], [rows, ccs])
        plsc.store_scatter(accs[0], [rows, ccs], tot)

    pltpu.sync_copy(accs[0], out_hbm.at[pl.ds(base, ITEMS)])


def _pooled_lookup(p0, p1, p2, p3, d128):
    mesh = plsc.VectorSubcoreMesh(core_axis_name="c", subcore_axis_name="s")
    scratch = (
        pltpu.VMEM((ROWPAD,), jnp.int32),
        pltpu.VMEM((ROWPAD, ITEMS), jnp.int32),
        pltpu.VMEM((CLS, ICHUNK), jnp.float32),
        pltpu.VMEM((ICHUNK, ROWW), jnp.float32),
        tuple(pltpu.VMEM((ITEMS, ROWW), jnp.float32) for _ in range(NSLOTS)),
        pltpu.VMEM_SHARED((VP, ROWW), jnp.float32),
        tuple(pltpu.SemaphoreType.DMA for _ in range(NSLOTS)),
        pltpu.SemaphoreType.DMA,
    )
    f = pl.kernel(
        _sc_body,
        out_type=jax.ShapeDtypeStruct((BATCH, ROWW), jnp.float32),
        mesh=mesh,
        scratch_types=scratch,
        compiler_params=pltpu.CompilerParams(
            use_tc_tiling_on_sc=False, needs_layout_passes=False
        ),
    )
    return f(p0, p1, p2, p3, d128)


@jax.jit
def kernel(data, table, W, b):
    w8 = jnp.zeros((8, EMB), jnp.float32).at[:CLS].set(W / HIST)

    p0, p1, p2, p3 = _project(w8, table.T)

    d128 = data.T.reshape(BATCH * HIST // 128, 128)
    out8 = _pooled_lookup(p0, p1, p2, p3, d128)
    return out8[:, :CLS] + b

# --- scband reference (transcript-rebuilt; emitter-appended) ---
"""Pipeline reference for scband-nn-21096879358288 (READ-ONLY COPY).

The authoritative reference and input builder live on the scoring server;
editing this copy changes nothing except your own understanding.
"""

import jax, jax.numpy as jnp
import numpy as np

VOCAB = 100000
EMB_DIM = 64
CLASS_NUM = 4
PADDING_IDX = 0
BATCH = 4096
HIST = 200

def setup_inputs(seed: int = 0) -> dict:
    key = jax.random.key(seed)
    k1, k2, k3, k4 = jax.random.split(key, 4)
    data = jax.random.randint(k1, (BATCH, HIST), 0, VOCAB, dtype=jnp.int64 if jax.config.jax_enable_x64 else jnp.int32).astype(jnp.int32)
    table = jax.random.normal(k2, (VOCAB, EMB_DIM), dtype=jnp.float32)
    # emulate padding_idx=0: row 0 is zeroed at init in torch
    table = table.at[PADDING_IDX].set(0.0)
    # nn.Linear default init: U(-1/sqrt(fan_in), 1/sqrt(fan_in))
    bound = 1.0 / np.sqrt(EMB_DIM)
    W = jax.random.uniform(k3, (CLASS_NUM, EMB_DIM), minval=-bound, maxval=bound, dtype=jnp.float32)
    b = jax.random.uniform(k4, (CLASS_NUM,), minval=-bound, maxval=bound, dtype=jnp.float32)
    return {"data": data, "table": table, "W": W, "b": b}

def reference(data, table, W, b):
    # embedding lookup (gather)
    emb = jnp.take(table, data, axis=0)          # [B, L, D]
    emb = emb.mean(axis=1)                        # [B, D]
    out = emb @ W.T + b                           # [B, class_num]
    return out

if __name__ == "__main__":
    import jax
    _d = setup_inputs()
    print(jax.jit(kernel)(*tuple(_d.values())))

</pallas_src>

<mosaic_0001>
#map = affine_map<(d0, d1) -> (0)>
#map1 = affine_map<(d0, d1) -> (0, 0)>
module attributes {stable_mosaic.version = 14 : i64} {
  func.func @_sc_body(%arg0: i32, %arg1: i32, %arg2: memref<102400xf32, #tpu.memory_space<hbm>>, %arg3: memref<102400xf32, #tpu.memory_space<hbm>>, %arg4: memref<102400xf32, #tpu.memory_space<hbm>>, %arg5: memref<102400xf32, #tpu.memory_space<hbm>>, %arg6: memref<6400x128xi32, #tpu.memory_space<hbm>>, %arg7: memref<4096x8xf32, #tpu.memory_space<hbm>>, %arg8: memref<208xi32, #tpu.memory_space<vmem>>, %arg9: memref<208x128xi32, #tpu.memory_space<vmem>>, %arg10: memref<4x3200xf32, #tpu.memory_space<vmem>>, %arg11: memref<3200x8xf32, #tpu.memory_space<vmem>>, %arg12: memref<128x8xf32, #tpu.memory_space<vmem>>, %arg13: memref<128x8xf32, #tpu.memory_space<vmem>>, %arg14: memref<128x8xf32, #tpu.memory_space<vmem>>, %arg15: memref<128x8xf32, #tpu.memory_space<vmem>>, %arg16: memref<128x8xf32, #tpu.memory_space<vmem>>, %arg17: memref<128x8xf32, #tpu.memory_space<vmem>>, %arg18: memref<128x8xf32, #tpu.memory_space<vmem>>, %arg19: memref<128x8xf32, #tpu.memory_space<vmem>>, %arg20: memref<102400x8xf32, #tpu.memory_space<vmem_shared>>, %arg21: memref<!tpu.dma_semaphore, #tpu.memory_space<semaphore_mem>>, %arg22: memref<!tpu.dma_semaphore, #tpu.memory_space<semaphore_mem>>, %arg23: memref<!tpu.dma_semaphore, #tpu.memory_space<semaphore_mem>>, %arg24: memref<!tpu.dma_semaphore, #tpu.memory_space<semaphore_mem>>, %arg25: memref<!tpu.dma_semaphore, #tpu.memory_space<semaphore_mem>>, %arg26: memref<!tpu.dma_semaphore, #tpu.memory_space<semaphore_mem>>, %arg27: memref<!tpu.dma_semaphore, #tpu.memory_space<semaphore_mem>>, %arg28: memref<!tpu.dma_semaphore, #tpu.memory_space<semaphore_mem>>, %arg29: memref<!tpu.dma_semaphore, #tpu.memory_space<semaphore_mem>>) attributes {dimension_semantics = [#tpu.dimension_semantics<core_parallel>, #tpu.dimension_semantics<subcore_parallel>], iteration_bounds = array<i64: 2, 16>, scalar_prefetch = 0 : i64, scratch_operands = 22 : i64, tpu.core_type = #tpu.core_type<sc_vector_subcore>, window_params = [{transform_indices = #map}, {transform_indices = #map}, {transform_indices = #map}, {transform_indices = #map}, {transform_indices = #map1}, {transform_indices = #map1}]} {
    %mul3A = arith.constant 2 : i32
    %mul3A_0 = arith.muli %arg1, %mul3A : i32
    %add3A = arith.addi %mul3A_0, %arg0 : i32
    %mul3A_1 = arith.constant 128 : i32
    %mul3A_2 = arith.muli %add3A, %mul3A_1 : i32
    %iota3A = tpu.iota {dimensions = array<i32: 0>} : vector<16xi32>
    %add3A_3 = arith.constant 0 : i32
    %add3A_4 = vector.broadcast %add3A_3 : i32 to vector<16xi32>
    %add3A_5 = arith.addi %iota3A, %add3A_4 : vector<16xi32>
    %mul3A_6 = arith.constant 32 : i32
    %mul3A_7 = vector.broadcast %mul3A_6 : i32 to vector<16xi32>
    %mul3A_8 = arith.muli %add3A_5, %mul3A_7 : vector<16xi32>
    %add3A_9 = vector.broadcast %add3A : i32 to vector<16xi32>
    %add3A_10 = arith.addi %mul3A_8, %add3A_9 : vector<16xi32>
    %min3A = arith.constant 6399 : i32
    %min3A_11 = vector.broadcast %min3A : i32 to vector<16xi32>
    %min3A_12 = arith.minsi %add3A_10, %min3A_11 : vector<16xi32>
    %swap3A = arith.constant 0 : index
    %swap3A_13 = tpu.vector_load %arg8[%swap3A] {strides = array<i32>} : memref<208xi32, #tpu.memory_space<vmem>>, vector<16xi32>,
    tpu.vector_store %arg8[%swap3A], %min3A_12 {strides = array<i32>} : memref<208xi32, #tpu.memory_space<vmem>>, vector<16xi32>,
    %iota3A_14 = tpu.iota {dimensions = array<i32: 0>} : vector<16xi32>
    %add3A_15 = arith.constant 16 : i32
    %add3A_16 = vector.broadcast %add3A_15 : i32 to vector<16xi32>
    %add3A_17 = arith.addi %iota3A_14, %add3A_16 : vector<16xi32>
    %mul3A_18 = arith.constant 32 : i32
    %mul3A_19 = vector.broadcast %mul3A_18 : i32 to vector<16xi32>
    %mul3A_20 = arith.muli %add3A_17, %mul3A_19 : vector<16xi32>
    %add3A_21 = vector.broadcast %add3A : i32 to vector<16xi32>
    %add3A_22 = arith.addi %mul3A_20, %add3A_21 : vector<16xi32>
    %min3A_23 = arith.constant 6399 : i32
    %min3A_24 = vector.broadcast %min3A_23 : i32 to vector<16xi32>
    %min3A_25 = arith.minsi %add3A_22, %min3A_24 : vector<16xi32>
    %swap3A_26 = arith.constant 16 : index
    %swap3A_27 = tpu.vector_load %arg8[%swap3A_26] {strides = array<i32>} : memref<208xi32, #tpu.memory_space<vmem>>, vector<16xi32>,
    tpu.vector_store %arg8[%swap3A_26], %min3A_25 {strides = array<i32>} : memref<208xi32, #tpu.memory_space<vmem>>, vector<16xi32>,
    %iota3A_28 = tpu.iota {dimensions = array<i32: 0>} : vector<16xi32>
    %add3A_29 = arith.constant 32 : i32
    %add3A_30 = vector.broadcast %add3A_29 : i32 to vector<16xi32>
    %add3A_31 = arith.addi %iota3A_28, %add3A_30 : vector<16xi32>
    %mul3A_32 = arith.constant 32 : i32
    %mul3A_33 = vector.broadcast %mul3A_32 : i32 to vector<16xi32>
    %mul3A_34 = arith.muli %add3A_31, %mul3A_33 : vector<16xi32>
    %add3A_35 = vector.broadcast %add3A : i32 to vector<16xi32>
    %add3A_36 = arith.addi %mul3A_34, %add3A_35 : vector<16xi32>
    %min3A_37 = arith.constant 6399 : i32
    %min3A_38 = vector.broadcast %min3A_37 : i32 to vector<16xi32>
    %min3A_39 = arith.minsi %add3A_36, %min3A_38 : vector<16xi32>
    %swap3A_40 = arith.constant 32 : index
    %swap3A_41 = tpu.vector_load %arg8[%swap3A_40] {strides = array<i32>} : memref<208xi32, #tpu.memory_space<vmem>>, vector<16xi32>,
    tpu.vector_store %arg8[%swap3A_40], %min3A_39 {strides = array<i32>} : memref<208xi32, #tpu.memory_space<vmem>>, vector<16xi32>,
    %iota3A_42 = tpu.iota {dimensions = array<i32: 0>} : vector<16xi32>
    %add3A_43 = arith.constant 48 : i32
    %add3A_44 = vector.broadcast %add3A_43 : i32 to vector<16xi32>
    %add3A_45 = arith.addi %iota3A_42, %add3A_44 : vector<16xi32>
    %mul3A_46 = arith.constant 32 : i32
    %mul3A_47 = vector.broadcast %mul3A_46 : i32 to vector<16xi32>
    %mul3A_48 = arith.muli %add3A_45, %mul3A_47 : vector<16xi32>
    %add3A_49 = vector.broadcast %add3A : i32 to vector<16xi32>
    %add3A_50 = arith.addi %mul3A_48, %add3A_49 : vector<16xi32>
    %min3A_51 = arith.constant 6399 : i32
    %min3A_52 = vector.broadcast %min3A_51 : i32 to vector<16xi32>
    %min3A_53 = arith.minsi %add3A_50, %min3A_52 : vector<16xi32>
    %swap3A_54 = arith.constant 48 : index
    %swap3A_55 = tpu.vector_load %arg8[%swap3A_54] {strides = array<i32>} : memref<208xi32, #tpu.memory_space<vmem>>, vector<16xi32>,
    tpu.vector_store %arg8[%swap3A_54], %min3A_53 {strides = array<i32>} : memref<208xi32, #tpu.memory_space<vmem>>, vector<16xi32>,
    %iota3A_56 = tpu.iota {dimensions = array<i32: 0>} : vector<16xi32>
    %add3A_57 = arith.constant 64 : i32
    %add3A_58 = vector.broadcast %add3A_57 : i32 to vector<16xi32>
    %add3A_59 = arith.addi %iota3A_56, %add3A_58 : vector<16xi32>
    %mul3A_60 = arith.constant 32 : i32
    %mul3A_61 = vector.broadcast %mul3A_60 : i32 to vector<16xi32>
    %mul3A_62 = arith.muli %add3A_59, %mul3A_61 : vector<16xi32>
    %add3A_63 = vector.broadcast %add3A : i32 to vector<16xi32>
    %add3A_64 = arith.addi %mul3A_62, %add3A_63 : vector<16xi32>
    %min3A_65 = arith.constant 6399 : i32
    %min3A_66 = vector.broadcast %min3A_65 : i32 to vector<16xi32>
    %min3A_67 = arith.minsi %add3A_64, %min3A_66 : vector<16xi32>
    %swap3A_68 = arith.constant 64 : index
    %swap3A_69 = tpu.vector_load %arg8[%swap3A_68] {strides = array<i32>} : memref<208xi32, #tpu.memory_space<vmem>>, vector<16xi32>,
    tpu.vector_store %arg8[%swap3A_68], %min3A_67 {strides = array<i32>} : memref<208xi32, #tpu.memory_space<vmem>>, vector<16xi32>,
    %iota3A_70 = tpu.iota {dimensions = array<i32: 0>} : vector<16xi32>
    %add3A_71 = arith.constant 80 : i32
    %add3A_72 = vector.broadcast %add3A_71 : i32 to vector<16xi32>
    %add3A_73 = arith.addi %iota3A_70, %add3A_72 : vector<16xi32>
    %mul3A_74 = arith.constant 32 : i32
    %mul3A_75 = vector.broadcast %mul3A_74 : i32 to vector<16xi32>
    %mul3A_76 = arith.muli %add3A_73, %mul3A_75 : vector<16xi32>
    %add3A_77 = vector.broadcast %add3A : i32 to vector<16xi32>
    %add3A_78 = arith.addi %mul3A_76, %add3A_77 : vector<16xi32>
    %min3A_79 = arith.constant 6399 : i32
    %min3A_80 = vector.broadcast %min3A_79 : i32 to vector<16xi32>
    %min3A_81 = arith.minsi %add3A_78, %min3A_80 : vector<16xi32>
    %swap3A_82 = arith.constant 80 : index
    %swap3A_83 = tpu.vector_load %arg8[%swap3A_82] {strides = array<i32>} : memref<208xi32, #tpu.memory_space<vmem>>, vector<16xi32>,
    tpu.vector_store %arg8[%swap3A_82], %min3A_81 {strides = array<i32>} : memref<208xi32, #tpu.memory_space<vmem>>, vector<16xi32>,
    %iota3A_84 = tpu.iota {dimensions = array<i32: 0>} : vector<16xi32>
    %add3A_85 = arith.constant 96 : i32
    %add3A_86 = vector.broadcast %add3A_85 : i32 to vector<16xi32>
    %add3A_87 = arith.addi %iota3A_84, %add3A_86 : vector<16xi32>
    %mul3A_88 = arith.constant 32 : i32
    %mul3A_89 = vector.broadcast %mul3A_88 : i32 to vector<16xi32>
    %mul3A_90 = arith.muli %add3A_87, %mul3A_89 : vector<16xi32>
    %add3A_91 = vector.broadcast %add3A : i32 to vector<16xi32>
    %add3A_92 = arith.addi %mul3A_90, %add3A_91 : vector<16xi32>
    %min3A_93 = arith.constant 6399 : i32
    %min3A_94 = vector.broadcast %min3A_93 : i32 to vector<16xi32>
    %min3A_95 = arith.minsi %add3A_92, %min3A_94 : vector<16xi32>
    %swap3A_96 = arith.constant 96 : index
    %swap3A_97 = tpu.vector_load %arg8[%swap3A_96] {strides = array<i32>} : memref<208xi32, #tpu.memory_space<vmem>>, vector<16xi32>,
    tpu.vector_store %arg8[%swap3A_96], %min3A_95 {strides = array<i32>} : memref<208xi32, #tpu.memory_space<vmem>>, vector<16xi32>,
    %iota3A_98 = tpu.iota {dimensions = array<i32: 0>} : vector<16xi32>
    %add3A_99 = arith.constant 112 : i32
    %add3A_100 = vector.broadcast %add3A_99 : i32 to vector<16xi32>
    %add3A_101 = arith.addi %iota3A_98, %add3A_100 : vector<16xi32>
    %mul3A_102 = arith.constant 32 : i32
    %mul3A_103 = vector.broadcast %mul3A_102 : i32 to vector<16xi32>
    %mul3A_104 = arith.muli %add3A_101, %mul3A_103 : vector<16xi32>
    %add3A_105 = vector.broadcast %add3A : i32 to vector<16xi32>
    %add3A_106 = arith.addi %mul3A_104, %add3A_105 : vector<16xi32>
    %min3A_107 = arith.constant 6399 : i32
    %min3A_108 = vector.broadcast %min3A_107 : i32 to vector<16xi32>
    %min3A_109 = arith.minsi %add3A_106, %min3A_108 : vector<16xi32>
    %swap3A_110 = arith.constant 112 : index
    %swap3A_111 = tpu.vector_load %arg8[%swap3A_110] {strides = array<i32>} : memref<208xi32, #tpu.memory_space<vmem>>, vector<16xi32>,
    tpu.vector_store %arg8[%swap3A_110], %min3A_109 {strides = array<i32>} : memref<208xi32, #tpu.memory_space<vmem>>, vector<16xi32>,
    %iota3A_112 = tpu.iota {dimensions = array<i32: 0>} : vector<16xi32>
    %add3A_113 = arith.constant 128 : i32
    %add3A_114 = vector.broadcast %add3A_113 : i32 to vector<16xi32>
    %add3A_115 = arith.addi %iota3A_112, %add3A_114 : vector<16xi32>
    %mul3A_116 = arith.constant 32 : i32
    %mul3A_117 = vector.broadcast %mul3A_116 : i32 to vector<16xi32>
    %mul3A_118 = arith.muli %add3A_115, %mul3A_117 : vector<16xi32>
    %add3A_119 = vector.broadcast %add3A : i32 to vector<16xi32>
    %add3A_120 = arith.addi %mul3A_118, %add3A_119 : vector<16xi32>
    %min3A_121 = arith.constant 6399 : i32
    %min3A_122 = vector.broadcast %min3A_121 : i32 to vector<16xi32>
    %min3A_123 = arith.minsi %add3A_120, %min3A_122 : vector<16xi32>
    %swap3A_124 = arith.constant 128 : index
    %swap3A_125 = tpu.vector_load %arg8[%swap3A_124] {strides = array<i32>} : memref<208xi32, #tpu.memory_space<vmem>>, vector<16xi32>,
    tpu.vector_store %arg8[%swap3A_124], %min3A_123 {strides = array<i32>} : memref<208xi32, #tpu.memory_space<vmem>>, vector<16xi32>,
    %iota3A_126 = tpu.iota {dimensions = array<i32: 0>} : vector<16xi32>
    %add3A_127 = arith.constant 144 : i32
    %add3A_128 = vector.broadcast %add3A_127 : i32 to vector<16xi32>
    %add3A_129 = arith.addi %iota3A_126, %add3A_128 : vector<16xi32>
    %mul3A_130 = arith.constant 32 : i32
    %mul3A_131 = vector.broadcast %mul3A_130 : i32 to vector<16xi32>
    %mul3A_132 = arith.muli %add3A_129, %mul3A_131 : vector<16xi32>
    %add3A_133 = vector.broadcast %add3A : i32 to vector<16xi32>
    %add3A_134 = arith.addi %mul3A_132, %add3A_133 : vector<16xi32>
    %min3A_135 = arith.constant 6399 : i32
    %min3A_136 = vector.broadcast %min3A_135 : i32 to vector<16xi32>
    %min3A_137 = arith.minsi %add3A_134, %min3A_136 : vector<16xi32>
    %swap3A_138 = arith.constant 144 : index
    %swap3A_139 = tpu.vector_load %arg8[%swap3A_138] {strides = array<i32>} : memref<208xi32, #tpu.memory_space<vmem>>, vector<16xi32>,
    tpu.vector_store %arg8[%swap3A_138], %min3A_137 {strides = array<i32>} : memref<208xi32, #tpu.memory_space<vmem>>, vector<16xi32>,
    %iota3A_140 = tpu.iota {dimensions = array<i32: 0>} : vector<16xi32>
    %add3A_141 = arith.constant 160 : i32
    %add3A_142 = vector.broadcast %add3A_141 : i32 to vector<16xi32>
    %add3A_143 = arith.addi %iota3A_140, %add3A_142 : vector<16xi32>
    %mul3A_144 = arith.constant 32 : i32
    %mul3A_145 = vector.broadcast %mul3A_144 : i32 to vector<16xi32>
    %mul3A_146 = arith.muli %add3A_143, %mul3A_145 : vector<16xi32>
    %add3A_147 = vector.broadcast %add3A : i32 to vector<16xi32>
    %add3A_148 = arith.addi %mul3A_146, %add3A_147 : vector<16xi32>
    %min3A_149 = arith.constant 6399 : i32
    %min3A_150 = vector.broadcast %min3A_149 : i32 to vector<16xi32>
    %min3A_151 = arith.minsi %add3A_148, %min3A_150 : vector<16xi32>
    %swap3A_152 = arith.constant 160 : index
    %swap3A_153 = tpu.vector_load %arg8[%swap3A_152] {strides = array<i32>} : memref<208xi32, #tpu.memory_space<vmem>>, vector<16xi32>,
    tpu.vector_store %arg8[%swap3A_152], %min3A_151 {strides = array<i32>} : memref<208xi32, #tpu.memory_space<vmem>>, vector<16xi32>,
    %iota3A_154 = tpu.iota {dimensions = array<i32: 0>} : vector<16xi32>
    %add3A_155 = arith.constant 176 : i32
    %add3A_156 = vector.broadcast %add3A_155 : i32 to vector<16xi32>
    %add3A_157 = arith.addi %iota3A_154, %add3A_156 : vector<16xi32>
    %mul3A_158 = arith.constant 32 : i32
    %mul3A_159 = vector.broadcast %mul3A_158 : i32 to vector<16xi32>
    %mul3A_160 = arith.muli %add3A_157, %mul3A_159 : vector<16xi32>
    %add3A_161 = vector.broadcast %add3A : i32 to vector<16xi32>
    %add3A_162 = arith.addi %mul3A_160, %add3A_161 : vector<16xi32>
    %min3A_163 = arith.constant 6399 : i32
    %min3A_164 = vector.broadcast %min3A_163 : i32 to vector<16xi32>
    %min3A_165 = arith.minsi %add3A_162, %min3A_164 : vector<16xi32>
    %swap3A_166 = arith.constant 176 : index
    %swap3A_167 = tpu.vector_load %arg8[%swap3A_166] {strides = array<i32>} : memref<208xi32, #tpu.memory_space<vmem>>, vector<16xi32>,
    tpu.vector_store %arg8[%swap3A_166], %min3A_165 {strides = array<i32>} : memref<208xi32, #tpu.memory_space<vmem>>, vector<16xi32>,
    %iota3A_168 = tpu.iota {dimensions = array<i32: 0>} : vector<16xi32>
    %add3A_169 = arith.constant 192 : i32
    %add3A_170 = vector.broadcast %add3A_169 : i32 to vector<16xi32>
    %add3A_171 = arith.addi %iota3A_168, %add3A_170 : vector<16xi32>
    %mul3A_172 = arith.constant 32 : i32
    %mul3A_173 = vector.broadcast %mul3A_172 : i32 to vector<16xi32>
    %mul3A_174 = arith.muli %add3A_171, %mul3A_173 : vector<16xi32>
    %add3A_175 = vector.broadcast %add3A : i32 to vector<16xi32>
    %add3A_176 = arith.addi %mul3A_174, %add3A_175 : vector<16xi32>
    %min3A_177 = arith.constant 6399 : i32
    %min3A_178 = vector.broadcast %min3A_177 : i32 to vector<16xi32>
    %min3A_179 = arith.minsi %add3A_176, %min3A_178 : vector<16xi32>
    %swap3A_180 = arith.constant 192 : index
    %swap3A_181 = tpu.vector_load %arg8[%swap3A_180] {strides = array<i32>} : memref<208xi32, #tpu.memory_space<vmem>>, vector<16xi32>,
    tpu.vector_store %arg8[%swap3A_180], %min3A_179 {strides = array<i32>} : memref<208xi32, #tpu.memory_space<vmem>>, vector<16xi32>,
    %dma_start3A = arith.constant 0 : i32
    %dma_start3A_182 = arith.constant 0 : i32
    %dma_start3A_183 = tpu.memref_slice %arg6[%dma_start3A, %dma_start3A_182] : memref<6400x128xi32, #tpu.memory_space<hbm>> -> memref<6400x128xi32, #tpu.memory_space<hbm>>
    tpu.enqueue_indirect_dma source(%dma_start3A_183 : memref<6400x128xi32, #tpu.memory_space<hbm>>) target(%arg9 : memref<208x128xi32, #tpu.memory_space<vmem>>) offsets(%arg8 : memref<208xi32, #tpu.memory_space<vmem>>) semaphore(%arg21 : memref<!tpu.dma_semaphore, #tpu.memory_space<semaphore_mem>>)
    %mul3A_184 = arith.constant 6400 : i32
    %mul3A_185 = arith.muli %arg1, %mul3A_184 : i32
    %add3A_186 = arith.constant 0 : i32
    %add3A_187 = arith.addi %mul3A_185, %add3A_186 : i32
    %dma_start3A_188 = arith.constant 0 : i32
    %dma_start3A_189 = arith.constant 0 : i32
    %dma_start3A_190 = tpu.memref_slice %arg10[%dma_start3A_188, %dma_start3A_189] : memref<4x3200xf32, #tpu.memory_space<vmem>> -> memref<1x3200xf32, #tpu.memory_space<vmem>>
    %dma_start3A_191 = tpu.memref_squeeze %dma_start3A_190 : memref<1x3200xf32, #tpu.memory_space<vmem>> -> memref<3200xf32, #tpu.memory_space<vmem>>
    %dma_start3A_192 = tpu.memref_slice %arg2[%add3A_187] : memref<102400xf32, #tpu.memory_space<hbm>> -> memref<3200xf32, #tpu.memory_space<hbm>>
    %dma_start3A_193 = arith.constant 0 : i32
    %dma_start3A_194 = tpu.memref_slice %arg10[%dma_start3A_188, %dma_start3A_193] : memref<4x3200xf32, #tpu.memory_space<vmem>> -> memref<1x3200xf32, #tpu.memory_space<vmem>>
    %dma_start3A_195 = tpu.memref_squeeze %dma_start3A_194 : memref<1x3200xf32, #tpu.memory_space<vmem>> -> memref<3200xf32, #tpu.memory_space<vmem>>
    %dma_start3A_196 = tpu.memref_slice %arg2[%add3A_187] : memref<102400xf32, #tpu.memory_space<hbm>> -> memref<3200xf32, #tpu.memory_space<hbm>>
    tpu.enqueue_dma source(%dma_start3A_196 : memref<3200xf32, #tpu.memory_space<hbm>>) target(%dma_start3A_195 : memref<3200xf32, #tpu.memory_space<vmem>>) target_semaphore(%arg29 : memref<!tpu.dma_semaphore, #tpu.memory_space<semaphore_mem>>)
    %dma_start3A_197 = arith.constant 1 : i32
    %dma_start3A_198 = arith.constant 0 : i32
    %dma_start3A_199 = tpu.memref_slice %arg10[%dma_start3A_197, %dma_start3A_198] : memref<4x3200xf32, #tpu.memory_space<vmem>> -> memref<1x3200xf32, #tpu.memory_space<vmem>>
    %dma_start3A_200 = tpu.memref_squeeze %dma_start3A_199 : memref<1x3200xf32, #tpu.memory_space<vmem>> -> memref<3200xf32, #tpu.memory_space<vmem>>
    %dma_start3A_201 = tpu.memref_slice %arg3[%add3A_187] : memref<102400xf32, #tpu.memory_space<hbm>> -> memref<3200xf32, #tpu.memory_space<hbm>>
    %dma_start3A_202 = arith.constant 0 : i32
    %dma_start3A_203 = tpu.memref_slice %arg10[%dma_start3A_197, %dma_start3A_202] : memref<4x3200xf32, #tpu.memory_space<vmem>> -> memref<1x3200xf32, #tpu.memory_space<vmem>>
    %dma_start3A_204 = tpu.memref_squeeze %dma_start3A_203 : memref<1x3200xf32, #tpu.memory_space<vmem>> -> memref<3200xf32, #tpu.memory_space<vmem>>
    %dma_start3A_205 = tpu.memref_slice %arg3[%add3A_187] : memref<102400xf32, #tpu.memory_space<hbm>> -> memref<3200xf32, #tpu.memory_space<hbm>>
    tpu.enqueue_dma source(%dma_start3A_205 : memref<3200xf32, #tpu.memory_space<hbm>>) target(%dma_start3A_204 : memref<3200xf32, #tpu.memory_space<vmem>>) target_semaphore(%arg29 : memref<!tpu.dma_semaphore, #tpu.memory_space<semaphore_mem>>)
    %dma_start3A_206 = arith.constant 2 : i32
    %dma_start3A_207 = arith.constant 0 : i32
    %dma_start3A_208 = tpu.memref_slice %arg10[%dma_start3A_206, %dma_start3A_207] : memref<4x3200xf32, #tpu.memory_space<vmem>> -> memref<1x3200xf32, #tpu.memory_space<vmem>>
    %dma_start3A_209 = tpu.memref_squeeze %dma_start3A_208 : memref<1x3200xf32, #tpu.memory_space<vmem>> -> memref<3200xf32, #tpu.memory_space<vmem>>
    %dma_start3A_210 = tpu.memref_slice %arg4[%add3A_187] : memref<102400xf32, #tpu.memory_space<hbm>> -> memref<3200xf32, #tpu.memory_space<hbm>>
    %dma_start3A_211 = arith.constant 0 : i32
    %dma_start3A_212 = tpu.memref_slice %arg10[%dma_start3A_206, %dma_start3A_211] : memref<4x3200xf32, #tpu.memory_space<vmem>> -> memref<1x3200xf32, #tpu.memory_space<vmem>>
    %dma_start3A_213 = tpu.memref_squeeze %dma_start3A_212 : memref<1x3200xf32, #tpu.memory_space<vmem>> -> memref<3200xf32, #tpu.memory_space<vmem>>
    %dma_start3A_214 = tpu.memref_slice %arg4[%add3A_187] : memref<102400xf32, #tpu.memory_space<hbm>> -> memref<3200xf32, #tpu.memory_space<hbm>>
    tpu.enqueue_dma source(%dma_start3A_214 : memref<3200xf32, #tpu.memory_space<hbm>>) target(%dma_start3A_213 : memref<3200xf32, #tpu.memory_space<vmem>>) target_semaphore(%arg29 : memref<!tpu.dma_semaphore, #tpu.memory_space<semaphore_mem>>)
    %dma_start3A_215 = arith.constant 3 : i32
    %dma_start3A_216 = arith.constant 0 : i32
    %dma_start3A_217 = tpu.memref_slice %arg10[%dma_start3A_215, %dma_start3A_216] : memref<4x3200xf32, #tpu.memory_space<vmem>> -> memref<1x3200xf32, #tpu.memory_space<vmem>>
    %dma_start3A_218 = tpu.memref_squeeze %dma_start3A_217 : memref<1x3200xf32, #tpu.memory_space<vmem>> -> memref<3200xf32, #tpu.memory_space<vmem>>
    %dma_start3A_219 = tpu.memref_slice %arg5[%add3A_187] : memref<102400xf32, #tpu.memory_space<hbm>> -> memref<3200xf32, #tpu.memory_space<hbm>>
    %dma_start3A_220 = arith.constant 0 : i32
    %dma_start3A_221 = tpu.memref_slice %arg10[%dma_start3A_215, %dma_start3A_220] : memref<4x3200xf32, #tpu.memory_space<vmem>> -> memref<1x3200xf32, #tpu.memory_space<vmem>>
    %dma_start3A_222 = tpu.memref_squeeze %dma_start3A_221 : memref<1x3200xf32, #tpu.memory_space<vmem>> -> memref<3200xf32, #tpu.memory_space<vmem>>
    %dma_start3A_223 = tpu.memref_slice %arg5[%add3A_187] : memref<102400xf32, #tpu.memory_space<hbm>> -> memref<3200xf32, #tpu.memory_space<hbm>>
    tpu.enqueue_dma source(%dma_start3A_223 : memref<3200xf32, #tpu.memory_space<hbm>>) target(%dma_start3A_222 : memref<3200xf32, #tpu.memory_space<vmem>>) target_semaphore(%arg29 : memref<!tpu.dma_semaphore, #tpu.memory_space<semaphore_mem>>)
    %dma_wait3A = arith.constant 0 : i32
    %dma_wait3A_224 = arith.constant 0 : i32
    %dma_wait3A_225 = tpu.memref_slice %arg10[%dma_wait3A, %dma_wait3A_224] : memref<4x3200xf32, #tpu.memory_space<vmem>> -> memref<1x3200xf32, #tpu.memory_space<vmem>>
    %dma_wait3A_226 = tpu.memref_squeeze %dma_wait3A_225 : memref<1x3200xf32, #tpu.memory_space<vmem>> -> memref<3200xf32, #tpu.memory_space<vmem>>
    %dma_wait3A_227 = tpu.memref_slice %arg2[%add3A_187] : memref<102400xf32, #tpu.memory_space<hbm>> -> memref<3200xf32, #tpu.memory_space<hbm>>
    %dma_wait3A_228 = arith.constant 0 : i32
    %dma_wait3A_229 = tpu.memref_slice %arg10[%dma_wait3A, %dma_wait3A_228] : memref<4x3200xf32, #tpu.memory_space<vmem>> -> memref<1x3200xf32, #tpu.memory_space<vmem>>
    %dma_wait3A_230 = tpu.memref_squeeze %dma_wait3A_229 : memref<1x3200xf32, #tpu.memory_space<vmem>> -> memref<3200xf32, #tpu.memory_space<vmem>>
    %dma_wait3A_231 = tpu.memref_slice %arg2[%add3A_187] : memref<102400xf32, #tpu.memory_space<hbm>> -> memref<3200xf32, #tpu.memory_space<hbm>>
    tpu.wait_dma2 semaphore(%arg29 : memref<!tpu.dma_semaphore, #tpu.memory_space<semaphore_mem>>) src(%dma_wait3A_231 : memref<3200xf32, #tpu.memory_space<hbm>>) dst(%dma_wait3A_230 : memref<3200xf32, #tpu.memory_space<vmem>>)
    %dma_wait3A_232 = arith.constant 1 : i32
    %dma_wait3A_233 = arith.constant 0 : i32
    %dma_wait3A_234 = tpu.memref_slice %arg10[%dma_wait3A_232, %dma_wait3A_233] : memref<4x3200xf32, #tpu.memory_space<vmem>> -> memref<1x3200xf32, #tpu.memory_space<vmem>>
    %dma_wait3A_235 = tpu.memref_squeeze %dma_wait3A_234 : memref<1x3200xf32, #tpu.memory_space<vmem>> -> memref<3200xf32, #tpu.memory_space<vmem>>
    %dma_wait3A_236 = tpu.memref_slice %arg2[%add3A_187] : memref<102400xf32, #tpu.memory_space<hbm>> -> memref<3200xf32, #tpu.memory_space<hbm>>
    %dma_wait3A_237 = arith.constant 0 : i32
    %dma_wait3A_238 = tpu.memref_slice %arg10[%dma_wait3A_232, %dma_wait3A_237] : memref<4x3200xf32, #tpu.memory_space<vmem>> -> memref<1x3200xf32, #tpu.memory_space<vmem>>
    %dma_wait3A_239 = tpu.memref_squeeze %dma_wait3A_238 : memref<1x3200xf32, #tpu.memory_space<vmem>> -> memref<3200xf32, #tpu.memory_space<vmem>>
    %dma_wait3A_240 = tpu.memref_slice %arg2[%add3A_187] : memref<102400xf32, #tpu.memory_space<hbm>> -> memref<3200xf32, #tpu.memory_space<hbm>>
    tpu.wait_dma2 semaphore(%arg29 : memref<!tpu.dma_semaphore, #tpu.memory_space<semaphore_mem>>) src(%dma_wait3A_240 : memref<3200xf32, #tpu.memory_space<hbm>>) dst(%dma_wait3A_239 : memref<3200xf32, #tpu.memory_space<vmem>>)
    %dma_wait3A_241 = arith.constant 2 : i32
    %dma_wait3A_242 = arith.constant 0 : i32
    %dma_wait3A_243 = tpu.memref_slice %arg10[%dma_wait3A_241, %dma_wait3A_242] : memref<4x3200xf32, #tpu.memory_space<vmem>> -> memref<1x3200xf32, #tpu.memory_space<vmem>>
    %dma_wait3A_244 = tpu.memref_squeeze %dma_wait3A_243 : memref<1x3200xf32, #tpu.memory_space<vmem>> -> memref<3200xf32, #tpu.memory_space<vmem>>
    %dma_wait3A_245 = tpu.memref_slice %arg2[%add3A_187] : memref<102400xf32, #tpu.memory_space<hbm>> -> memref<3200xf32, #tpu.memory_space<hbm>>
    %dma_wait3A_246 = arith.constant 0 : i32
    %dma_wait3A_247 = tpu.memref_slice %arg10[%dma_wait3A_241, %dma_wait3A_246] : memref<4x3200xf32, #tpu.memory_space<vmem>> -> memref<1x3200xf32, #tpu.memory_space<vmem>>
    %dma_wait3A_248 = tpu.memref_squeeze %dma_wait3A_247 : memref<1x3200xf32, #tpu.memory_space<vmem>> -> memref<3200xf32, #tpu.memory_space<vmem>>
    %dma_wait3A_249 = tpu.memref_slice %arg2[%add3A_187] : memref<102400xf32, #tpu.memory_space<hbm>> -> memref<3200xf32, #tpu.memory_space<hbm>>
    tpu.wait_dma2 semaphore(%arg29 : memref<!tpu.dma_semaphore, #tpu.memory_space<semaphore_mem>>) src(%dma_wait3A_249 : memref<3200xf32, #tpu.memory_space<hbm>>) dst(%dma_wait3A_248 : memref<3200xf32, #tpu.memory_space<vmem>>)
    %dma_wait3A_250 = arith.constant 3 : i32
    %dma_wait3A_251 = arith.constant 0 : i32
    %dma_wait3A_252 = tpu.memref_slice %arg10[%dma_wait3A_250, %dma_wait3A_251] : memref<4x3200xf32, #tpu.memory_space<vmem>> -> memref<1x3200xf32, #tpu.memory_space<vmem>>
    %dma_wait3A_253 = tpu.memref_squeeze %dma_wait3A_252 : memref<1x3200xf32, #tpu.memory_space<vmem>> -> memref<3200xf32, #tpu.memory_space<vmem>>
    %dma_wait3A_254 = tpu.memref_slice %arg2[%add3A_187] : memref<102400xf32, #tpu.memory_space<hbm>> -> memref<3200xf32, #tpu.memory_space<hbm>>
    %dma_wait3A_255 = arith.constant 0 : i32
    %dma_wait3A_256 = tpu.memref_slice %arg10[%dma_wait3A_250, %dma_wait3A_255] : memref<4x3200xf32, #tpu.memory_space<vmem>> -> memref<1x3200xf32, #tpu.memory_space<vmem>>
    %dma_wait3A_257 = tpu.memref_squeeze %dma_wait3A_256 : memref<1x3200xf32, #tpu.memory_space<vmem>> -> memref<3200xf32, #tpu.memory_space<vmem>>
    %dma_wait3A_258 = tpu.memref_slice %arg2[%add3A_187] : memref<102400xf32, #tpu.memory_space<hbm>> -> memref<3200xf32, #tpu.memory_space<hbm>>
    tpu.wait_dma2 semaphore(%arg29 : memref<!tpu.dma_semaphore, #tpu.memory_space<semaphore_mem>>) src(%dma_wait3A_258 : memref<3200xf32, #tpu.memory_space<hbm>>) dst(%dma_wait3A_257 : memref<3200xf32, #tpu.memory_space<vmem>>)
    %broadcast_in_dim3A = arith.constant 0 : i32
    %broadcast_in_dim3A_259 = vector.broadcast %broadcast_in_dim3A : i32 to vector<16xi32>
    %scan3A = arith.constant 0 : i32
    %scan3A_260 = arith.constant 200 : i32
    %scan3A_261 = arith.addi %scan3A, %scan3A_260 : i32
    %scan3A_262 = arith.constant 4 : i32
    scf.for %scan3A_514 = %scan3A to %scan3A_261 step %scan3A_262  : i32 {
      %mul3A_515 = arith.constant 1 : i32
      %mul3A_516 = arith.muli %scan3A_514, %mul3A_515 : i32
      %add3A_517 = arith.constant 0 : i32
      %add3A_518 = arith.addi %add3A_517, %mul3A_516 : i32
      %iota3A_519 = tpu.iota {dimensions = array<i32: 0>} : vector<16xi32>
      %mul3A_520 = arith.constant 16 : i32
      %mul3A_521 = arith.muli %add3A_518, %mul3A_520 : i32
      %add3A_522 = vector.broadcast %mul3A_521 : i32 to vector<16xi32>
      %add3A_523 = arith.addi %iota3A_519, %add3A_522 : vector<16xi32>
      %mul3A_524 = arith.constant 16 : i32
      %mul3A_525 = arith.muli %add3A_518, %mul3A_524 : i32
      %get3A = arith.constant 0 : i32
      %get3A_526 = arith.index_cast %get3A : i32 to index
      %get3A_527 = arith.index_cast %mul3A_525 : i32 to index
      %get3A_528 = tpu.vector_load %arg10[%get3A_526, %get3A_527] {strides = array<i32>} : memref<4x3200xf32, #tpu.memory_space<vmem>>, vector<16xf32>,
      tpu.vector_store_idx %arg11[%add3A_523, %broadcast_in_dim3A_259], %get3A_528 : memref<3200x8xf32, #tpu.memory_space<vmem>>[vector<16xi32>, vector<16xi32>], vector<16xf32>,
      %scan3A_529 = arith.constant 1 : i32
      %scan3A_530 = arith.addi %scan3A_514, %scan3A_529 : i32
      %mul3A_531 = arith.constant 1 : i32
      %mul3A_532 = arith.muli %scan3A_530, %mul3A_531 : i32
      %add3A_533 = arith.constant 0 : i32
      %add3A_534 = arith.addi %add3A_533, %mul3A_532 : i32
      %iota3A_535 = tpu.iota {dimensions = array<i32: 0>} : vector<16xi32>
      %mul3A_536 = arith.constant 16 : i32
      %mul3A_537 = arith.muli %add3A_534, %mul3A_536 : i32
      %add3A_538 = vector.broadcast %mul3A_537 : i32 to vector<16xi32>
      %add3A_539 = arith.addi %iota3A_535, %add3A_538 : vector<16xi32>
      %mul3A_540 = arith.constant 16 : i32
      %mul3A_541 = arith.muli %add3A_534, %mul3A_540 : i32
      %get3A_542 = arith.constant 0 : i32
      %get3A_543 = arith.index_cast %get3A_542 : i32 to index
      %get3A_544 = arith.index_cast %mul3A_541 : i32 to index
      %get3A_545 = tpu.vector_load %arg10[%get3A_543, %get3A_544] {strides = array<i32>} : memref<4x3200xf32, #tpu.memory_space<vmem>>, vector<16xf32>,
      tpu.vector_store_idx %arg11[%add3A_539, %broadcast_in_dim3A_259], %get3A_545 : memref<3200x8xf32, #tpu.memory_space<vmem>>[vector<16xi32>, vector<16xi32>], vector<16xf32>,
      %scan3A_546 = arith.constant 2 : i32
      %scan3A_547 = arith.addi %scan3A_514, %scan3A_546 : i32
      %mul3A_548 = arith.constant 1 : i32
      %mul3A_549 = arith.muli %scan3A_547, %mul3A_548 : i32
      %add3A_550 = arith.constant 0 : i32
      %add3A_551 = arith.addi %add3A_550, %mul3A_549 : i32
      %iota3A_552 = tpu.iota {dimensions = array<i32: 0>} : vector<16xi32>
      %mul3A_553 = arith.constant 16 : i32
      %mul3A_554 = arith.muli %add3A_551, %mul3A_553 : i32
      %add3A_555 = vector.broadcast %mul3A_554 : i32 to vector<16xi32>
      %add3A_556 = arith.addi %iota3A_552, %add3A_555 : vector<16xi32>
      %mul3A_557 = arith.constant 16 : i32
      %mul3A_558 = arith.muli %add3A_551, %mul3A_557 : i32
      %get3A_559 = arith.constant 0 : i32
      %get3A_560 = arith.index_cast %get3A_559 : i32 to index
      %get3A_561 = arith.index_cast %mul3A_558 : i32 to index
      %get3A_562 = tpu.vector_load %arg10[%get3A_560, %get3A_561] {strides = array<i32>} : memref<4x3200xf32, #tpu.memory_space<vmem>>, vector<16xf32>,
      tpu.vector_store_idx %arg11[%add3A_556, %broadcast_in_dim3A_259], %get3A_562 : memref<3200x8xf32, #tpu.memory_space<vmem>>[vector<16xi32>, vector<16xi32>], vector<16xf32>,
      %scan3A_563 = arith.constant 3 : i32
      %scan3A_564 = arith.addi %scan3A_514, %scan3A_563 : i32
      %mul3A_565 = arith.constant 1 : i32
      %mul3A_566 = arith.muli %scan3A_564, %mul3A_565 : i32
      %add3A_567 = arith.constant 0 : i32
      %add3A_568 = arith.addi %add3A_567, %mul3A_566 : i32
      %iota3A_569 = tpu.iota {dimensions = array<i32: 0>} : vector<16xi32>
      %mul3A_570 = arith.constant 16 : i32
      %mul3A_571 = arith.muli %add3A_568, %mul3A_570 : i32
      %add3A_572 = vector.broadcast %mul3A_571 : i32 to vector<16xi32>
      %add3A_573 = arith.addi %iota3A_569, %add3A_572 : vector<16xi32>
      %mul3A_574 = arith.constant 16 : i32
      %mul3A_575 = arith.muli %add3A_568, %mul3A_574 : i32
      %get3A_576 = arith.constant 0 : i32
      %get3A_577 = arith.index_cast %get3A_576 : i32 to index
      %get3A_578 = arith.index_cast %mul3A_575 : i32 to index
      %get3A_579 = tpu.vector_load %arg10[%get3A_577, %get3A_578] {strides = array<i32>} : memref<4x3200xf32, #tpu.memory_space<vmem>>, vector<16xf32>,
      tpu.vector_store_idx %arg11[%add3A_573, %broadcast_in_dim3A_259], %get3A_579 : memref<3200x8xf32, #tpu.memory_space<vmem>>[vector<16xi32>, vector<16xi32>], vector<16xf32>,
    }
    %scan3A_263 = arith.constant 200 : i32
    %broadcast_in_dim3A_264 = arith.constant 1 : i32
    %broadcast_in_dim3A_265 = vector.broadcast %broadcast_in_dim3A_264 : i32 to vector<16xi32>
    %scan3A_266 = arith.constant 0 : i32
    %scan3A_267 = arith.constant 200 : i32
    %scan3A_268 = arith.addi %scan3A_266, %scan3A_267 : i32
    %scan3A_269 = arith.constant 4 : i32
    scf.for %scan3A_514 = %scan3A_266 to %scan3A_268 step %scan3A_269  : i32 {
      %mul3A_515 = arith.constant 1 : i32
      %mul3A_516 = arith.muli %scan3A_514, %mul3A_515 : i32
      %add3A_517 = arith.constant 0 : i32
      %add3A_518 = arith.addi %add3A_517, %mul3A_516 : i32
      %iota3A_519 = tpu.iota {dimensions = array<i32: 0>} : vector<16xi32>
      %mul3A_520 = arith.constant 16 : i32
      %mul3A_521 = arith.muli %add3A_518, %mul3A_520 : i32
      %add3A_522 = vector.broadcast %mul3A_521 : i32 to vector<16xi32>
      %add3A_523 = arith.addi %iota3A_519, %add3A_522 : vector<16xi32>
      %mul3A_524 = arith.constant 16 : i32
      %mul3A_525 = arith.muli %add3A_518, %mul3A_524 : i32
      %get3A = arith.constant 1 : i32
      %get3A_526 = arith.index_cast %get3A : i32 to index
      %get3A_527 = arith.index_cast %mul3A_525 : i32 to index
      %get3A_528 = tpu.vector_load %arg10[%get3A_526, %get3A_527] {strides = array<i32>} : memref<4x3200xf32, #tpu.memory_space<vmem>>, vector<16xf32>,
      tpu.vector_store_idx %arg11[%add3A_523, %broadcast_in_dim3A_265], %get3A_528 : memref<3200x8xf32, #tpu.memory_space<vmem>>[vector<16xi32>, vector<16xi32>], vector<16xf32>,
      %scan3A_529 = arith.constant 1 : i32
      %scan3A_530 = arith.addi %scan3A_514, %scan3A_529 : i32
      %mul3A_531 = arith.constant 1 : i32
      %mul3A_532 = arith.muli %scan3A_530, %mul3A_531 : i32
      %add3A_533 = arith.constant 0 : i32
      %add3A_534 = arith.addi %add3A_533, %mul3A_532 : i32
      %iota3A_535 = tpu.iota {dimensions = array<i32: 0>} : vector<16xi32>
      %mul3A_536 = arith.constant 16 : i32
      %mul3A_537 = arith.muli %add3A_534, %mul3A_536 : i32
      %add3A_538 = vector.broadcast %mul3A_537 : i32 to vector<16xi32>
      %add3A_539 = arith.addi %iota3A_535, %add3A_538 : vector<16xi32>
      %mul3A_540 = arith.constant 16 : i32
      %mul3A_541 = arith.muli %add3A_534, %mul3A_540 : i32
      %get3A_542 = arith.constant 1 : i32
      %get3A_543 = arith.index_cast %get3A_542 : i32 to index
      %get3A_544 = arith.index_cast %mul3A_541 : i32 to index
      %get3A_545 = tpu.vector_load %arg10[%get3A_543, %get3A_544] {strides = array<i32>} : memref<4x3200xf32, #tpu.memory_space<vmem>>, vector<16xf32>,
      tpu.vector_store_idx %arg11[%add3A_539, %broadcast_in_dim3A_265], %get3A_545 : memref<3200x8xf32, #tpu.memory_space<vmem>>[vector<16xi32>, vector<16xi32>], vector<16xf32>,
      %scan3A_546 = arith.constant 2 : i32
      %scan3A_547 = arith.addi %scan3A_514, %scan3A_546 : i32
      %mul3A_548 = arith.constant 1 : i32
      %mul3A_549 = arith.muli %scan3A_547, %mul3A_548 : i32
      %add3A_550 = arith.constant 0 : i32
      %add3A_551 = arith.addi %add3A_550, %mul3A_549 : i32
      %iota3A_552 = tpu.iota {dimensions = array<i32: 0>} : vector<16xi32>
      %mul3A_553 = arith.constant 16 : i32
      %mul3A_554 = arith.muli %add3A_551, %mul3A_553 : i32
      %add3A_555 = vector.broadcast %mul3A_554 : i32 to vector<16xi32>
      %add3A_556 = arith.addi %iota3A_552, %add3A_555 : vector<16xi32>
      %mul3A_557 = arith.constant 16 : i32
      %mul3A_558 = arith.muli %add3A_551, %mul3A_557 : i32
      %get3A_559 = arith.constant 1 : i32
      %get3A_560 = arith.index_cast %get3A_559 : i32 to index
      %get3A_561 = arith.index_cast %mul3A_558 : i32 to index
      %get3A_562 = tpu.vector_load %arg10[%get3A_560, %get3A_561] {strides = array<i32>} : memref<4x3200xf32, #tpu.memory_space<vmem>>, vector<16xf32>,
      tpu.vector_store_idx %arg11[%add3A_556, %broadcast_in_dim3A_265], %get3A_562 : memref<3200x8xf32, #tpu.memory_space<vmem>>[vector<16xi32>, vector<16xi32>], vector<16xf32>,
      %scan3A_563 = arith.constant 3 : i32
      %scan3A_564 = arith.addi %scan3A_514, %scan3A_563 : i32
      %mul3A_565 = arith.constant 1 : i32
      %mul3A_566 = arith.muli %scan3A_564, %mul3A_565 : i32
      %add3A_567 = arith.constant 0 : i32
      %add3A_568 = arith.addi %add3A_567, %mul3A_566 : i32
      %iota3A_569 = tpu.iota {dimensions = array<i32: 0>} : vector<16xi32>
      %mul3A_570 = arith.constant 16 : i32
      %mul3A_571 = arith.muli %add3A_568, %mul3A_570 : i32
      %add3A_572 = vector.broadcast %mul3A_571 : i32 to vector<16xi32>
      %add3A_573 = arith.addi %iota3A_569, %add3A_572 : vector<16xi32>
      %mul3A_574 = arith.constant 16 : i32
      %mul3A_575 = arith.muli %add3A_568, %mul3A_574 : i32
      %get3A_576 = arith.constant 1 : i32
      %get3A_577 = arith.index_cast %get3A_576 : i32 to index
      %get3A_578 = arith.index_cast %mul3A_575 : i32 to index
      %get3A_579 = tpu.vector_load %arg10[%get3A_577, %get3A_578] {strides = array<i32>} : memref<4x3200xf32, #tpu.memory_space<vmem>>, vector<16xf32>,
      tpu.vector_store_idx %arg11[%add3A_573, %broadcast_in_dim3A_265], %get3A_579 : memref<3200x8xf32, #tpu.memory_space<vmem>>[vector<16xi32>, vector<16xi32>], vector<16xf32>,
    }
    %scan3A_270 = arith.constant 200 : i32
    %broadcast_in_dim3A_271 = arith.constant 2 : i32
    %broadcast_in_dim3A_272 = vector.broadcast %broadcast_in_dim3A_271 : i32 to vector<16xi32>
    %scan3A_273 = arith.constant 0 : i32
    %scan3A_274 = arith.constant 200 : i32
    %scan3A_275 = arith.addi %scan3A_273, %scan3A_274 : i32
    %scan3A_276 = arith.constant 4 : i32
    scf.for %scan3A_514 = %scan3A_273 to %scan3A_275 step %scan3A_276  : i32 {
      %mul3A_515 = arith.constant 1 : i32
      %mul3A_516 = arith.muli %scan3A_514, %mul3A_515 : i32
      %add3A_517 = arith.constant 0 : i32
      %add3A_518 = arith.addi %add3A_517, %mul3A_516 : i32
      %iota3A_519 = tpu.iota {dimensions = array<i32: 0>} : vector<16xi32>
      %mul3A_520 = arith.constant 16 : i32
      %mul3A_521 = arith.muli %add3A_518, %mul3A_520 : i32
      %add3A_522 = vector.broadcast %mul3A_521 : i32 to vector<16xi32>
      %add3A_523 = arith.addi %iota3A_519, %add3A_522 : vector<16xi32>
      %mul3A_524 = arith.constant 16 : i32
      %mul3A_525 = arith.muli %add3A_518, %mul3A_524 : i32
      %get3A = arith.constant 2 : i32
      %get3A_526 = arith.index_cast %get3A : i32 to index
      %get3A_527 = arith.index_cast %mul3A_525 : i32 to index
      %get3A_528 = tpu.vector_load %arg10[%get3A_526, %get3A_527] {strides = array<i32>} : memref<4x3200xf32, #tpu.memory_space<vmem>>, vector<16xf32>,
      tpu.vector_store_idx %arg11[%add3A_523, %broadcast_in_dim3A_272], %get3A_528 : memref<3200x8xf32, #tpu.memory_space<vmem>>[vector<16xi32>, vector<16xi32>], vector<16xf32>,
      %scan3A_529 = arith.constant 1 : i32
      %scan3A_530 = arith.addi %scan3A_514, %scan3A_529 : i32
      %mul3A_531 = arith.constant 1 : i32
      %mul3A_532 = arith.muli %scan3A_530, %mul3A_531 : i32
      %add3A_533 = arith.constant 0 : i32
      %add3A_534 = arith.addi %add3A_533, %mul3A_532 : i32
      %iota3A_535 = tpu.iota {dimensions = array<i32: 0>} : vector<16xi32>
      %mul3A_536 = arith.constant 16 : i32
      %mul3A_537 = arith.muli %add3A_534, %mul3A_536 : i32
      %add3A_538 = vector.broadcast %mul3A_537 : i32 to vector<16xi32>
      %add3A_539 = arith.addi %iota3A_535, %add3A_538 : vector<16xi32>
      %mul3A_540 = arith.constant 16 : i32
      %mul3A_541 = arith.muli %add3A_534, %mul3A_540 : i32
      %get3A_542 = arith.constant 2 : i32
      %get3A_543 = arith.index_cast %get3A_542 : i32 to index
      %get3A_544 = arith.index_cast %mul3A_541 : i32 to index
      %get3A_545 = tpu.vector_load %arg10[%get3A_543, %get3A_544] {strides = array<i32>} : memref<4x3200xf32, #tpu.memory_space<vmem>>, vector<16xf32>,
      tpu.vector_store_idx %arg11[%add3A_539, %broadcast_in_dim3A_272], %get3A_545 : memref<3200x8xf32, #tpu.memory_space<vmem>>[vector<16xi32>, vector<16xi32>], vector<16xf32>,
      %scan3A_546 = arith.constant 2 : i32
      %scan3A_547 = arith.addi %scan3A_514, %scan3A_546 : i32
      %mul3A_548 = arith.constant 1 : i32
      %mul3A_549 = arith.muli %scan3A_547, %mul3A_548 : i32
      %add3A_550 = arith.constant 0 : i32
      %add3A_551 = arith.addi %add3A_550, %mul3A_549 : i32
      %iota3A_552 = tpu.iota {dimensions = array<i32: 0>} : vector<16xi32>
      %mul3A_553 = arith.constant 16 : i32
      %mul3A_554 = arith.muli %add3A_551, %mul3A_553 : i32
      %add3A_555 = vector.broadcast %mul3A_554 : i32 to vector<16xi32>
      %add3A_556 = arith.addi %iota3A_552, %add3A_555 : vector<16xi32>
      %mul3A_557 = arith.constant 16 : i32
      %mul3A_558 = arith.muli %add3A_551, %mul3A_557 : i32
      %get3A_559 = arith.constant 2 : i32
      %get3A_560 = arith.index_cast %get3A_559 : i32 to index
      %get3A_561 = arith.index_cast %mul3A_558 : i32 to index
      %get3A_562 = tpu.vector_load %arg10[%get3A_560, %get3A_561] {strides = array<i32>} : memref<4x3200xf32, #tpu.memory_space<vmem>>, vector<16xf32>,
      tpu.vector_store_idx %arg11[%add3A_556, %broadcast_in_dim3A_272], %get3A_562 : memref<3200x8xf32, #tpu.memory_space<vmem>>[vector<16xi32>, vector<16xi32>], vector<16xf32>,
      %scan3A_563 = arith.constant 3 : i32
      %scan3A_564 = arith.addi %scan3A_514, %scan3A_563 : i32
      %mul3A_565 = arith.constant 1 : i32
      %mul3A_566 = arith.muli %scan3A_564, %mul3A_565 : i32
      %add3A_567 = arith.constant 0 : i32
      %add3A_568 = arith.addi %add3A_567, %mul3A_566 : i32
      %iota3A_569 = tpu.iota {dimensions = array<i32: 0>} : vector<16xi32>
      %mul3A_570 = arith.constant 16 : i32
      %mul3A_571 = arith.muli %add3A_568, %mul3A_570 : i32
      %add3A_572 = vector.broadcast %mul3A_571 : i32 to vector<16xi32>
      %add3A_573 = arith.addi %iota3A_569, %add3A_572 : vector<16xi32>
      %mul3A_574 = arith.constant 16 : i32
      %mul3A_575 = arith.muli %add3A_568, %mul3A_574 : i32
      %get3A_576 = arith.constant 2 : i32
      %get3A_577 = arith.index_cast %get3A_576 : i32 to index
      %get3A_578 = arith.index_cast %mul3A_575 : i32 to index
      %get3A_579 = tpu.vector_load %arg10[%get3A_577, %get3A_578] {strides = array<i32>} : memref<4x3200xf32, #tpu.memory_space<vmem>>, vector<16xf32>,
      tpu.vector_store_idx %arg11[%add3A_573, %broadcast_in_dim3A_272], %get3A_579 : memref<3200x8xf32, #tpu.memory_space<vmem>>[vector<16xi32>, vector<16xi32>], vector<16xf32>,
    }
    %scan3A_277 = arith.constant 200 : i32
    %broadcast_in_dim3A_278 = arith.constant 3 : i32
    %broadcast_in_dim3A_279 = vector.broadcast %broadcast_in_dim3A_278 : i32 to vector<16xi32>
    %scan3A_280 = arith.constant 0 : i32
    %scan3A_281 = arith.constant 200 : i32
    %scan3A_282 = arith.addi %scan3A_280, %scan3A_281 : i32
    %scan3A_283 = arith.constant 4 : i32
    scf.for %scan3A_514 = %scan3A_280 to %scan3A_282 step %scan3A_283  : i32 {
      %mul3A_515 = arith.constant 1 : i32
      %mul3A_516 = arith.muli %scan3A_514, %mul3A_515 : i32
      %add3A_517 = arith.constant 0 : i32
      %add3A_518 = arith.addi %add3A_517, %mul3A_516 : i32
      %iota3A_519 = tpu.iota {dimensions = array<i32: 0>} : vector<16xi32>
      %mul3A_520 = arith.constant 16 : i32
      %mul3A_521 = arith.muli %add3A_518, %mul3A_520 : i32
      %add3A_522 = vector.broadcast %mul3A_521 : i32 to vector<16xi32>
      %add3A_523 = arith.addi %iota3A_519, %add3A_522 : vector<16xi32>
      %mul3A_524 = arith.constant 16 : i32
      %mul3A_525 = arith.muli %add3A_518, %mul3A_524 : i32
      %get3A = arith.constant 3 : i32
      %get3A_526 = arith.index_cast %get3A : i32 to index
      %get3A_527 = arith.index_cast %mul3A_525 : i32 to index
      %get3A_528 = tpu.vector_load %arg10[%get3A_526, %get3A_527] {strides = array<i32>} : memref<4x3200xf32, #tpu.memory_space<vmem>>, vector<16xf32>,
      tpu.vector_store_idx %arg11[%add3A_523, %broadcast_in_dim3A_279], %get3A_528 : memref<3200x8xf32, #tpu.memory_space<vmem>>[vector<16xi32>, vector<16xi32>], vector<16xf32>,
      %scan3A_529 = arith.constant 1 : i32
      %scan3A_530 = arith.addi %scan3A_514, %scan3A_529 : i32
      %mul3A_531 = arith.constant 1 : i32
      %mul3A_532 = arith.muli %scan3A_530, %mul3A_531 : i32
      %add3A_533 = arith.constant 0 : i32
      %add3A_534 = arith.addi %add3A_533, %mul3A_532 : i32
      %iota3A_535 = tpu.iota {dimensions = array<i32: 0>} : vector<16xi32>
      %mul3A_536 = arith.constant 16 : i32
      %mul3A_537 = arith.muli %add3A_534, %mul3A_536 : i32
      %add3A_538 = vector.broadcast %mul3A_537 : i32 to vector<16xi32>
      %add3A_539 = arith.addi %iota3A_535, %add3A_538 : vector<16xi32>
      %mul3A_540 = arith.constant 16 : i32
      %mul3A_541 = arith.muli %add3A_534, %mul3A_540 : i32
      %get3A_542 = arith.constant 3 : i32
      %get3A_543 = arith.index_cast %get3A_542 : i32 to index
      %get3A_544 = arith.index_cast %mul3A_541 : i32 to index
      %get3A_545 = tpu.vector_load %arg10[%get3A_543, %get3A_544] {strides = array<i32>} : memref<4x3200xf32, #tpu.memory_space<vmem>>, vector<16xf32>,
      tpu.vector_store_idx %arg11[%add3A_539, %broadcast_in_dim3A_279], %get3A_545 : memref<3200x8xf32, #tpu.memory_space<vmem>>[vector<16xi32>, vector<16xi32>], vector<16xf32>,
      %scan3A_546 = arith.constant 2 : i32
      %scan3A_547 = arith.addi %scan3A_514, %scan3A_546 : i32
      %mul3A_548 = arith.constant 1 : i32
      %mul3A_549 = arith.muli %scan3A_547, %mul3A_548 : i32
      %add3A_550 = arith.constant 0 : i32
      %add3A_551 = arith.addi %add3A_550, %mul3A_549 : i32
      %iota3A_552 = tpu.iota {dimensions = array<i32: 0>} : vector<16xi32>
      %mul3A_553 = arith.constant 16 : i32
      %mul3A_554 = arith.muli %add3A_551, %mul3A_553 : i32
      %add3A_555 = vector.broadcast %mul3A_554 : i32 to vector<16xi32>
      %add3A_556 = arith.addi %iota3A_552, %add3A_555 : vector<16xi32>
      %mul3A_557 = arith.constant 16 : i32
      %mul3A_558 = arith.muli %add3A_551, %mul3A_557 : i32
      %get3A_559 = arith.constant 3 : i32
      %get3A_560 = arith.index_cast %get3A_559 : i32 to index
      %get3A_561 = arith.index_cast %mul3A_558 : i32 to index
      %get3A_562 = tpu.vector_load %arg10[%get3A_560, %get3A_561] {strides = array<i32>} : memref<4x3200xf32, #tpu.memory_space<vmem>>, vector<16xf32>,
      tpu.vector_store_idx %arg11[%add3A_556, %broadcast_in_dim3A_279], %get3A_562 : memref<3200x8xf32, #tpu.memory_space<vmem>>[vector<16xi32>, vector<16xi32>], vector<16xf32>,
      %scan3A_563 = arith.constant 3 : i32
      %scan3A_564 = arith.addi %scan3A_514, %scan3A_563 : i32
      %mul3A_565 = arith.constant 1 : i32
      %mul3A_566 = arith.muli %scan3A_564, %mul3A_565 : i32
      %add3A_567 = arith.constant 0 : i32
      %add3A_568 = arith.addi %add3A_567, %mul3A_566 : i32
      %iota3A_569 = tpu.iota {dimensions = array<i32: 0>} : vector<16xi32>
      %mul3A_570 = arith.constant 16 : i32
      %mul3A_571 = arith.muli %add3A_568, %mul3A_570 : i32
      %add3A_572 = vector.broadcast %mul3A_571 : i32 to vector<16xi32>
      %add3A_573 = arith.addi %iota3A_569, %add3A_572 : vector<16xi32>
      %mul3A_574 = arith.constant 16 : i32
      %mul3A_575 = arith.muli %add3A_568, %mul3A_574 : i32
      %get3A_576 = arith.constant 3 : i32
      %get3A_577 = arith.index_cast %get3A_576 : i32 to index
      %get3A_578 = arith.index_cast %mul3A_575 : i32 to index
      %get3A_579 = tpu.vector_load %arg10[%get3A_577, %get3A_578] {strides = array<i32>} : memref<4x3200xf32, #tpu.memory_space<vmem>>, vector<16xf32>,
      tpu.vector_store_idx %arg11[%add3A_573, %broadcast_in_dim3A_279], %get3A_579 : memref<3200x8xf32, #tpu.memory_space<vmem>>[vector<16xi32>, vector<16xi32>], vector<16xf32>,
    }
    %scan3A_284 = arith.constant 200 : i32
    "tpu.region"() ({
      %run_scoped3A = tpu.sem_alloc : memref<!tpu.dma_semaphore, #tpu.memory_space<semaphore_mem>>
      %dma_start3A_514 = arith.constant 0 : i32
      %dma_start3A_515 = tpu.memref_slice %arg20[%add3A_187, %dma_start3A_514] : memref<102400x8xf32, #tpu.memory_space<vmem_shared>> -> memref<3200x8xf32, #tpu.memory_space<vmem_shared>>
      %dma_start3A_516 = arith.constant 0 : i32
      %dma_start3A_517 = tpu.memref_slice %arg20[%add3A_187, %dma_start3A_516] : memref<102400x8xf32, #tpu.memory_space<vmem_shared>> -> memref<3200x8xf32, #tpu.memory_space<vmem_shared>>
      tpu.enqueue_dma source(%arg11 : memref<3200x8xf32, #tpu.memory_space<vmem>>) target(%dma_start3A_517 : memref<3200x8xf32, #tpu.memory_space<vmem_shared>>) target_semaphore(%run_scoped3A : memref<!tpu.dma_semaphore, #tpu.memory_space<semaphore_mem>>)
      %dma_wait3A_518 = arith.constant 0 : i32
      %dma_wait3A_519 = tpu.memref_slice %arg20[%add3A_187, %dma_wait3A_518] : memref<102400x8xf32, #tpu.memory_space<vmem_shared>> -> memref<3200x8xf32, #tpu.memory_space<vmem_shared>>
      %dma_wait3A_520 = arith.constant 0 : i32
      %dma_wait3A_521 = tpu.memref_slice %arg20[%add3A_187, %dma_wait3A_520] : memref<102400x8xf32, #tpu.memory_space<vmem_shared>> -> memref<3200x8xf32, #tpu.memory_space<vmem_shared>>
      tpu.wait_dma2 semaphore(%run_scoped3A : memref<!tpu.dma_semaphore, #tpu.memory_space<semaphore_mem>>) src(%arg11 : memref<3200x8xf32, #tpu.memory_space<vmem>>) dst(%dma_wait3A_521 : memref<3200x8xf32, #tpu.memory_space<vmem_shared>>)
      tpu.yield
    }) : () -> ()
    %mul3A_285 = arith.constant 6400 : i32
    %mul3A_286 = arith.muli %arg1, %mul3A_285 : i32
    %add3A_287 = arith.constant 3200 : i32
    %add3A_288 = arith.addi %mul3A_286, %add3A_287 : i32
    %dma_start3A_289 = arith.constant 0 : i32
    %dma_start3A_290 = arith.constant 0 : i32
    %dma_start3A_291 = tpu.memref_slice %arg10[%dma_start3A_289, %dma_start3A_290] : memref<4x3200xf32, #tpu.memory_space<vmem>> -> memref<1x3200xf32, #tpu.memory_space<vmem>>
    %dma_start3A_292 = tpu.memref_squeeze %dma_start3A_291 : memref<1x3200xf32, #tpu.memory_space<vmem>> -> memref<3200xf32, #tpu.memory_space<vmem>>
    %dma_start3A_293 = tpu.memref_slice %arg2[%add3A_288] : memref<102400xf32, #tpu.memory_space<hbm>> -> memref<3200xf32, #tpu.memory_space<hbm>>
    %dma_start3A_294 = arith.constant 0 : i32
    %dma_start3A_295 = tpu.memref_slice %arg10[%dma_start3A_289, %dma_start3A_294] : memref<4x3200xf32, #tpu.memory_space<vmem>> -> memref<1x3200xf32, #tpu.memory_space<vmem>>
    %dma_start3A_296 = tpu.memref_squeeze %dma_start3A_295 : memref<1x3200xf32, #tpu.memory_space<vmem>> -> memref<3200xf32, #tpu.memory_space<vmem>>
    %dma_start3A_297 = tpu.memref_slice %arg2[%add3A_288] : memref<102400xf32, #tpu.memory_space<hbm>> -> memref<3200xf32, #tpu.memory_space<hbm>>
    tpu.enqueue_dma source(%dma_start3A_297 : memref<3200xf32, #tpu.memory_space<hbm>>) target(%dma_start3A_296 : memref<3200xf32, #tpu.memory_space<vmem>>) target_semaphore(%arg29 : memref<!tpu.dma_semaphore, #tpu.memory_space<semaphore_mem>>)
    %dma_start3A_298 = arith.constant 1 : i32
    %dma_start3A_299 = arith.constant 0 : i32
    %dma_start3A_300 = tpu.memref_slice %arg10[%dma_start3A_298, %dma_start3A_299] : memref<4x3200xf32, #tpu.memory_space<vmem>> -> memref<1x3200xf32, #tpu.memory_space<vmem>>
    %dma_start3A_301 = tpu.memref_squeeze %dma_start3A_300 : memref<1x3200xf32, #tpu.memory_space<vmem>> -> memref<3200xf32, #tpu.memory_space<vmem>>
    %dma_start3A_302 = tpu.memref_slice %arg3[%add3A_288] : memref<102400xf32, #tpu.memory_space<hbm>> -> memref<3200xf32, #tpu.memory_space<hbm>>
    %dma_start3A_303 = arith.constant 0 : i32
    %dma_start3A_304 = tpu.memref_slice %arg10[%dma_start3A_298, %dma_start3A_303] : memref<4x3200xf32, #tpu.memory_space<vmem>> -> memref<1x3200xf32, #tpu.memory_space<vmem>>
    %dma_start3A_305 = tpu.memref_squeeze %dma_start3A_304 : memref<1x3200xf32, #tpu.memory_space<vmem>> -> memref<3200xf32, #tpu.memory_space<vmem>>
    %dma_start3A_306 = tpu.memref_slice %arg3[%add3A_288] : memref<102400xf32, #tpu.memory_space<hbm>> -> memref<3200xf32, #tpu.memory_space<hbm>>
    tpu.enqueue_dma source(%dma_start3A_306 : memref<3200xf32, #tpu.memory_space<hbm>>) target(%dma_start3A_305 : memref<3200xf32, #tpu.memory_space<vmem>>) target_semaphore(%arg29 : memref<!tpu.dma_semaphore, #tpu.memory_space<semaphore_mem>>)
    %dma_start3A_307 = arith.constant 2 : i32
    %dma_start3A_308 = arith.constant 0 : i32
    %dma_start3A_309 = tpu.memref_slice %arg10[%dma_start3A_307, %dma_start3A_308] : memref<4x3200xf32, #tpu.memory_space<vmem>> -> memref<1x3200xf32, #tpu.memory_space<vmem>>
    %dma_start3A_310 = tpu.memref_squeeze %dma_start3A_309 : memref<1x3200xf32, #tpu.memory_space<vmem>> -> memref<3200xf32, #tpu.memory_space<vmem>>
    %dma_start3A_311 = tpu.memref_slice %arg4[%add3A_288] : memref<102400xf32, #tpu.memory_space<hbm>> -> memref<3200xf32, #tpu.memory_space<hbm>>
    %dma_start3A_312 = arith.constant 0 : i32
    %dma_start3A_313 = tpu.memref_slice %arg10[%dma_start3A_307, %dma_start3A_312] : memref<4x3200xf32, #tpu.memory_space<vmem>> -> memref<1x3200xf32, #tpu.memory_space<vmem>>
    %dma_start3A_314 = tpu.memref_squeeze %dma_start3A_313 : memref<1x3200xf32, #tpu.memory_space<vmem>> -> memref<3200xf32, #tpu.memory_space<vmem>>
    %dma_start3A_315 = tpu.memref_slice %arg4[%add3A_288] : memref<102400xf32, #tpu.memory_space<hbm>> -> memref<3200xf32, #tpu.memory_space<hbm>>
    tpu.enqueue_dma source(%dma_start3A_315 : memref<3200xf32, #tpu.memory_space<hbm>>) target(%dma_start3A_314 : memref<3200xf32, #tpu.memory_space<vmem>>) target_semaphore(%arg29 : memref<!tpu.dma_semaphore, #tpu.memory_space<semaphore_mem>>)
    %dma_start3A_316 = arith.constant 3 : i32
    %dma_start3A_317 = arith.constant 0 : i32
    %dma_start3A_318 = tpu.memref_slice %arg10[%dma_start3A_316, %dma_start3A_317] : memref<4x3200xf32, #tpu.memory_space<vmem>> -> memref<1x3200xf32, #tpu.memory_space<vmem>>
    %dma_start3A_319 = tpu.memref_squeeze %dma_start3A_318 : memref<1x3200xf32, #tpu.memory_space<vmem>> -> memref<3200xf32, #tpu.memory_space<vmem>>
    %dma_start3A_320 = tpu.memref_slice %arg5[%add3A_288] : memref<102400xf32, #tpu.memory_space<hbm>> -> memref<3200xf32, #tpu.memory_space<hbm>>
    %dma_start3A_321 = arith.constant 0 : i32
    %dma_start3A_322 = tpu.memref_slice %arg10[%dma_start3A_316, %dma_start3A_321] : memref<4x3200xf32, #tpu.memory_space<vmem>> -> memref<1x3200xf32, #tpu.memory_space<vmem>>
    %dma_start3A_323 = tpu.memref_squeeze %dma_start3A_322 : memref<1x3200xf32, #tpu.memory_space<vmem>> -> memref<3200xf32, #tpu.memory_space<vmem>>
    %dma_start3A_324 = tpu.memref_slice %arg5[%add3A_288] : memref<102400xf32, #tpu.memory_space<hbm>> -> memref<3200xf32, #tpu.memory_space<hbm>>
    tpu.enqueue_dma source(%dma_start3A_324 : memref<3200xf32, #tpu.memory_space<hbm>>) target(%dma_start3A_323 : memref<3200xf32, #tpu.memory_space<vmem>>) target_semaphore(%arg29 : memref<!tpu.dma_semaphore, #tpu.memory_space<semaphore_mem>>)
    %dma_wait3A_325 = arith.constant 0 : i32
    %dma_wait3A_326 = arith.constant 0 : i32
    %dma_wait3A_327 = tpu.memref_slice %arg10[%dma_wait3A_325, %dma_wait3A_326] : memref<4x3200xf32, #tpu.memory_space<vmem>> -> memref<1x3200xf32, #tpu.memory_space<vmem>>
    %dma_wait3A_328 = tpu.memref_squeeze %dma_wait3A_327 : memref<1x3200xf32, #tpu.memory_space<vmem>> -> memref<3200xf32, #tpu.memory_space<vmem>>
    %dma_wait3A_329 = tpu.memref_slice %arg2[%add3A_288] : memref<102400xf32, #tpu.memory_space<hbm>> -> memref<3200xf32, #tpu.memory_space<hbm>>
    %dma_wait3A_330 = arith.constant 0 : i32
    %dma_wait3A_331 = tpu.memref_slice %arg10[%dma_wait3A_325, %dma_wait3A_330] : memref<4x3200xf32, #tpu.memory_space<vmem>> -> memref<1x3200xf32, #tpu.memory_space<vmem>>
    %dma_wait3A_332 = tpu.memref_squeeze %dma_wait3A_331 : memref<1x3200xf32, #tpu.memory_space<vmem>> -> memref<3200xf32, #tpu.memory_space<vmem>>
    %dma_wait3A_333 = tpu.memref_slice %arg2[%add3A_288] : memref<102400xf32, #tpu.memory_space<hbm>> -> memref<3200xf32, #tpu.memory_space<hbm>>
    tpu.wait_dma2 semaphore(%arg29 : memref<!tpu.dma_semaphore, #tpu.memory_space<semaphore_mem>>) src(%dma_wait3A_333 : memref<3200xf32, #tpu.memory_space<hbm>>) dst(%dma_wait3A_332 : memref<3200xf32, #tpu.memory_space<vmem>>)
    %dma_wait3A_334 = arith.constant 1 : i32
    %dma_wait3A_335 = arith.constant 0 : i32
    %dma_wait3A_336 = tpu.memref_slice %arg10[%dma_wait3A_334, %dma_wait3A_335] : memref<4x3200xf32, #tpu.memory_space<vmem>> -> memref<1x3200xf32, #tpu.memory_space<vmem>>
    %dma_wait3A_337 = tpu.memref_squeeze %dma_wait3A_336 : memref<1x3200xf32, #tpu.memory_space<vmem>> -> memref<3200xf32, #tpu.memory_space<vmem>>
    %dma_wait3A_338 = tpu.memref_slice %arg2[%add3A_288] : memref<102400xf32, #tpu.memory_space<hbm>> -> memref<3200xf32, #tpu.memory_space<hbm>>
    %dma_wait3A_339 = arith.constant 0 : i32
    %dma_wait3A_340 = tpu.memref_slice %arg10[%dma_wait3A_334, %dma_wait3A_339] : memref<4x3200xf32, #tpu.memory_space<vmem>> -> memref<1x3200xf32, #tpu.memory_space<vmem>>
    %dma_wait3A_341 = tpu.memref_squeeze %dma_wait3A_340 : memref<1x3200xf32, #tpu.memory_space<vmem>> -> memref<3200xf32, #tpu.memory_space<vmem>>
    %dma_wait3A_342 = tpu.memref_slice %arg2[%add3A_288] : memref<102400xf32, #tpu.memory_space<hbm>> -> memref<3200xf32, #tpu.memory_space<hbm>>
    tpu.wait_dma2 semaphore(%arg29 : memref<!tpu.dma_semaphore, #tpu.memory_space<semaphore_mem>>) src(%dma_wait3A_342 : memref<3200xf32, #tpu.memory_space<hbm>>) dst(%dma_wait3A_341 : memref<3200xf32, #tpu.memory_space<vmem>>)
    %dma_wait3A_343 = arith.constant 2 : i32
    %dma_wait3A_344 = arith.constant 0 : i32
    %dma_wait3A_345 = tpu.memref_slice %arg10[%dma_wait3A_343, %dma_wait3A_344] : memref<4x3200xf32, #tpu.memory_space<vmem>> -> memref<1x3200xf32, #tpu.memory_space<vmem>>
    %dma_wait3A_346 = tpu.memref_squeeze %dma_wait3A_345 : memref<1x3200xf32, #tpu.memory_space<vmem>> -> memref<3200xf32, #tpu.memory_space<vmem>>
    %dma_wait3A_347 = tpu.memref_slice %arg2[%add3A_288] : memref<102400xf32, #tpu.memory_space<hbm>> -> memref<3200xf32, #tpu.memory_space<hbm>>
    %dma_wait3A_348 = arith.constant 0 : i32
    %dma_wait3A_349 = tpu.memref_slice %arg10[%dma_wait3A_343, %dma_wait3A_348] : memref<4x3200xf32, #tpu.memory_space<vmem>> -> memref<1x3200xf32, #tpu.memory_space<vmem>>
    %dma_wait3A_350 = tpu.memref_squeeze %dma_wait3A_349 : memref<1x3200xf32, #tpu.memory_space<vmem>> -> memref<3200xf32, #tpu.memory_space<vmem>>
    %dma_wait3A_351 = tpu.memref_slice %arg2[%add3A_288] : memref<102400xf32, #tpu.memory_space<hbm>> -> memref<3200xf32, #tpu.memory_space<hbm>>
    tpu.wait_dma2 semaphore(%arg29 : memref<!tpu.dma_semaphore, #tpu.memory_space<semaphore_mem>>) src(%dma_wait3A_351 : memref<3200xf32, #tpu.memory_space<hbm>>) dst(%dma_wait3A_350 : memref<3200xf32, #tpu.memory_space<vmem>>)
    %dma_wait3A_352 = arith.constant 3 : i32
    %dma_wait3A_353 = arith.constant 0 : i32
    %dma_wait3A_354 = tpu.memref_slice %arg10[%dma_wait3A_352, %dma_wait3A_353] : memref<4x3200xf32, #tpu.memory_space<vmem>> -> memref<1x3200xf32, #tpu.memory_space<vmem>>
    %dma_wait3A_355 = tpu.memref_squeeze %dma_wait3A_354 : memref<1x3200xf32, #tpu.memory_space<vmem>> -> memref<3200xf32, #tpu.memory_space<vmem>>
    %dma_wait3A_356 = tpu.memref_slice %arg2[%add3A_288] : memref<102400xf32, #tpu.memory_space<hbm>> -> memref<3200xf32, #tpu.memory_space<hbm>>
    %dma_wait3A_357 = arith.constant 0 : i32
    %dma_wait3A_358 = tpu.memref_slice %arg10[%dma_wait3A_352, %dma_wait3A_357] : memref<4x3200xf32, #tpu.memory_space<vmem>> -> memref<1x3200xf32, #tpu.memory_space<vmem>>
    %dma_wait3A_359 = tpu.memref_squeeze %dma_wait3A_358 : memref<1x3200xf32, #tpu.memory_space<vmem>> -> memref<3200xf32, #tpu.memory_space<vmem>>
    %dma_wait3A_360 = tpu.memref_slice %arg2[%add3A_288] : memref<102400xf32, #tpu.memory_space<hbm>> -> memref<3200xf32, #tpu.memory_space<hbm>>
    tpu.wait_dma2 semaphore(%arg29 : memref<!tpu.dma_semaphore, #tpu.memory_space<semaphore_mem>>) src(%dma_wait3A_360 : memref<3200xf32, #tpu.memory_space<hbm>>) dst(%dma_wait3A_359 : memref<3200xf32, #tpu.memory_space<vmem>>)
    %broadcast_in_dim3A_361 = arith.constant 0 : i32
    %broadcast_in_dim3A_362 = vector.broadcast %broadcast_in_dim3A_361 : i32 to vector<16xi32>
    %scan3A_363 = arith.constant 0 : i32
    %scan3A_364 = arith.constant 200 : i32
    %scan3A_365 = arith.addi %scan3A_363, %scan3A_364 : i32
    %scan3A_366 = arith.constant 4 : i32
    scf.for %scan3A_514 = %scan3A_363 to %scan3A_365 step %scan3A_366  : i32 {
      %mul3A_515 = arith.constant 1 : i32
      %mul3A_516 = arith.muli %scan3A_514, %mul3A_515 : i32
      %add3A_517 = arith.constant 0 : i32
      %add3A_518 = arith.addi %add3A_517, %mul3A_516 : i32
      %iota3A_519 = tpu.iota {dimensions = array<i32: 0>} : vector<16xi32>
      %mul3A_520 = arith.constant 16 : i32
      %mul3A_521 = arith.muli %add3A_518, %mul3A_520 : i32
      %add3A_522 = vector.broadcast %mul3A_521 : i32 to vector<16xi32>
      %add3A_523 = arith.addi %iota3A_519, %add3A_522 : vector<16xi32>
      %mul3A_524 = arith.constant 16 : i32
      %mul3A_525 = arith.muli %add3A_518, %mul3A_524 : i32
      %get3A = arith.constant 0 : i32
      %get3A_526 = arith.index_cast %get3A : i32 to index
      %get3A_527 = arith.index_cast %mul3A_525 : i32 to index
      %get3A_528 = tpu.vector_load %arg10[%get3A_526, %get3A_527] {strides = array<i32>} : memref<4x3200xf32, #tpu.memory_space<vmem>>, vector<16xf32>,
      tpu.vector_store_idx %arg11[%add3A_523, %broadcast_in_dim3A_362], %get3A_528 : memref<3200x8xf32, #tpu.memory_space<vmem>>[vector<16xi32>, vector<16xi32>], vector<16xf32>,
      %scan3A_529 = arith.constant 1 : i32
      %scan3A_530 = arith.addi %scan3A_514, %scan3A_529 : i32
      %mul3A_531 = arith.constant 1 : i32
      %mul3A_532 = arith.muli %scan3A_530, %mul3A_531 : i32
      %add3A_533 = arith.constant 0 : i32
      %add3A_534 = arith.addi %add3A_533, %mul3A_532 : i32
      %iota3A_535 = tpu.iota {dimensions = array<i32: 0>} : vector<16xi32>
      %mul3A_536 = arith.constant 16 : i32
      %mul3A_537 = arith.muli %add3A_534, %mul3A_536 : i32
      %add3A_538 = vector.broadcast %mul3A_537 : i32 to vector<16xi32>
      %add3A_539 = arith.addi %iota3A_535, %add3A_538 : vector<16xi32>
      %mul3A_540 = arith.constant 16 : i32
      %mul3A_541 = arith.muli %add3A_534, %mul3A_540 : i32
      %get3A_542 = arith.constant 0 : i32
      %get3A_543 = arith.index_cast %get3A_542 : i32 to index
      %get3A_544 = arith.index_cast %mul3A_541 : i32 to index
      %get3A_545 = tpu.vector_load %arg10[%get3A_543, %get3A_544] {strides = array<i32>} : memref<4x3200xf32, #tpu.memory_space<vmem>>, vector<16xf32>,
      tpu.vector_store_idx %arg11[%add3A_539, %broadcast_in_dim3A_362], %get3A_545 : memref<3200x8xf32, #tpu.memory_space<vmem>>[vector<16xi32>, vector<16xi32>], vector<16xf32>,
      %scan3A_546 = arith.constant 2 : i32
      %scan3A_547 = arith.addi %scan3A_514, %scan3A_546 : i32
      %mul3A_548 = arith.constant 1 : i32
      %mul3A_549 = arith.muli %scan3A_547, %mul3A_548 : i32
      %add3A_550 = arith.constant 0 : i32
      %add3A_551 = arith.addi %add3A_550, %mul3A_549 : i32
      %iota3A_552 = tpu.iota {dimensions = array<i32: 0>} : vector<16xi32>
      %mul3A_553 = arith.constant 16 : i32
      %mul3A_554 = arith.muli %add3A_551, %mul3A_553 : i32
      %add3A_555 = vector.broadcast %mul3A_554 : i32 to vector<16xi32>
      %add3A_556 = arith.addi %iota3A_552, %add3A_555 : vector<16xi32>
      %mul3A_557 = arith.constant 16 : i32
      %mul3A_558 = arith.muli %add3A_551, %mul3A_557 : i32
      %get3A_559 = arith.constant 0 : i32
      %get3A_560 = arith.index_cast %get3A_559 : i32 to index
      %get3A_561 = arith.index_cast %mul3A_558 : i32 to index
      %get3A_562 = tpu.vector_load %arg10[%get3A_560, %get3A_561] {strides = array<i32>} : memref<4x3200xf32, #tpu.memory_space<vmem>>, vector<16xf32>,
      tpu.vector_store_idx %arg11[%add3A_556, %broadcast_in_dim3A_362], %get3A_562 : memref<3200x8xf32, #tpu.memory_space<vmem>>[vector<16xi32>, vector<16xi32>], vector<16xf32>,
      %scan3A_563 = arith.constant 3 : i32
      %scan3A_564 = arith.addi %scan3A_514, %scan3A_563 : i32
      %mul3A_565 = arith.constant 1 : i32
      %mul3A_566 = arith.muli %scan3A_564, %mul3A_565 : i32
      %add3A_567 = arith.constant 0 : i32
      %add3A_568 = arith.addi %add3A_567, %mul3A_566 : i32
      %iota3A_569 = tpu.iota {dimensions = array<i32: 0>} : vector<16xi32>
      %mul3A_570 = arith.constant 16 : i32
      %mul3A_571 = arith.muli %add3A_568, %mul3A_570 : i32
      %add3A_572 = vector.broadcast %mul3A_571 : i32 to vector<16xi32>
      %add3A_573 = arith.addi %iota3A_569, %add3A_572 : vector<16xi32>
      %mul3A_574 = arith.constant 16 : i32
      %mul3A_575 = arith.muli %add3A_568, %mul3A_574 : i32
      %get3A_576 = arith.constant 0 : i32
      %get3A_577 = arith.index_cast %get3A_576 : i32 to index
      %get3A_578 = arith.index_cast %mul3A_575 : i32 to index
      %get3A_579 = tpu.vector_load %arg10[%get3A_577, %get3A_578] {strides = array<i32>} : memref<4x3200xf32, #tpu.memory_space<vmem>>, vector<16xf32>,
      tpu.vector_store_idx %arg11[%add3A_573, %broadcast_in_dim3A_362], %get3A_579 : memref<3200x8xf32, #tpu.memory_space<vmem>>[vector<16xi32>, vector<16xi32>], vector<16xf32>,
    }
    %scan3A_367 = arith.constant 200 : i32
    %broadcast_in_dim3A_368 = arith.constant 1 : i32
    %broadcast_in_dim3A_369 = vector.broadcast %broadcast_in_dim3A_368 : i32 to vector<16xi32>
    %scan3A_370 = arith.constant 0 : i32
    %scan3A_371 = arith.constant 200 : i32
    %scan3A_372 = arith.addi %scan3A_370, %scan3A_371 : i32
    %scan3A_373 = arith.constant 4 : i32
    scf.for %scan3A_514 = %scan3A_370 to %scan3A_372 step %scan3A_373  : i32 {
      %mul3A_515 = arith.constant 1 : i32
      %mul3A_516 = arith.muli %scan3A_514, %mul3A_515 : i32
      %add3A_517 = arith.constant 0 : i32
      %add3A_518 = arith.addi %add3A_517, %mul3A_516 : i32
      %iota3A_519 = tpu.iota {dimensions = array<i32: 0>} : vector<16xi32>
      %mul3A_520 = arith.constant 16 : i32
      %mul3A_521 = arith.muli %add3A_518, %mul3A_520 : i32
      %add3A_522 = vector.broadcast %mul3A_521 : i32 to vector<16xi32>
      %add3A_523 = arith.addi %iota3A_519, %add3A_522 : vector<16xi32>
      %mul3A_524 = arith.constant 16 : i32
      %mul3A_525 = arith.muli %add3A_518, %mul3A_524 : i32
      %get3A = arith.constant 1 : i32
      %get3A_526 = arith.index_cast %get3A : i32 to index
      %get3A_527 = arith.index_cast %mul3A_525 : i32 to index
      %get3A_528 = tpu.vector_load %arg10[%get3A_526, %get3A_527] {strides = array<i32>} : memref<4x3200xf32, #tpu.memory_space<vmem>>, vector<16xf32>,
      tpu.vector_store_idx %arg11[%add3A_523, %broadcast_in_dim3A_369], %get3A_528 : memref<3200x8xf32, #tpu.memory_space<vmem>>[vector<16xi32>, vector<16xi32>], vector<16xf32>,
      %scan3A_529 = arith.constant 1 : i32
      %scan3A_530 = arith.addi %scan3A_514, %scan3A_529 : i32
      %mul3A_531 = arith.constant 1 : i32
      %mul3A_532 = arith.muli %scan3A_530, %mul3A_531 : i32
      %add3A_533 = arith.constant 0 : i32
      %add3A_534 = arith.addi %add3A_533, %mul3A_532 : i32
      %iota3A_535 = tpu.iota {dimensions = array<i32: 0>} : vector<16xi32>
      %mul3A_536 = arith.constant 16 : i32
      %mul3A_537 = arith.muli %add3A_534, %mul3A_536 : i32
      %add3A_538 = vector.broadcast %mul3A_537 : i32 to vector<16xi32>
      %add3A_539 = arith.addi %iota3A_535, %add3A_538 : vector<16xi32>
      %mul3A_540 = arith.constant 16 : i32
      %mul3A_541 = arith.muli %add3A_534, %mul3A_540 : i32
      %get3A_542 = arith.constant 1 : i32
      %get3A_543 = arith.index_cast %get3A_542 : i32 to index
      %get3A_544 = arith.index_cast %mul3A_541 : i32 to index
      %get3A_545 = tpu.vector_load %arg10[%get3A_543, %get3A_544] {strides = array<i32>} : memref<4x3200xf32, #tpu.memory_space<vmem>>, vector<16xf32>,
      tpu.vector_store_idx %arg11[%add3A_539, %broadcast_in_dim3A_369], %get3A_545 : memref<3200x8xf32, #tpu.memory_space<vmem>>[vector<16xi32>, vector<16xi32>], vector<16xf32>,
      %scan3A_546 = arith.constant 2 : i32
      %scan3A_547 = arith.addi %scan3A_514, %scan3A_546 : i32
      %mul3A_548 = arith.constant 1 : i32
      %mul3A_549 = arith.muli %scan3A_547, %mul3A_548 : i32
      %add3A_550 = arith.constant 0 : i32
      %add3A_551 = arith.addi %add3A_550, %mul3A_549 : i32
      %iota3A_552 = tpu.iota {dimensions = array<i32: 0>} : vector<16xi32>
      %mul3A_553 = arith.constant 16 : i32
      %mul3A_554 = arith.muli %add3A_551, %mul3A_553 : i32
      %add3A_555 = vector.broadcast %mul3A_554 : i32 to vector<16xi32>
      %add3A_556 = arith.addi %iota3A_552, %add3A_555 : vector<16xi32>
      %mul3A_557 = arith.constant 16 : i32
      %mul3A_558 = arith.muli %add3A_551, %mul3A_557 : i32
      %get3A_559 = arith.constant 1 : i32
      %get3A_560 = arith.index_cast %get3A_559 : i32 to index
      %get3A_561 = arith.index_cast %mul3A_558 : i32 to index
      %get3A_562 = tpu.vector_load %arg10[%get3A_560, %get3A_561] {strides = array<i32>} : memref<4x3200xf32, #tpu.memory_space<vmem>>, vector<16xf32>,
      tpu.vector_store_idx %arg11[%add3A_556, %broadcast_in_dim3A_369], %get3A_562 : memref<3200x8xf32, #tpu.memory_space<vmem>>[vector<16xi32>, vector<16xi32>], vector<16xf32>,
      %scan3A_563 = arith.constant 3 : i32
      %scan3A_564 = arith.addi %scan3A_514, %scan3A_563 : i32
      %mul3A_565 = arith.constant 1 : i32
      %mul3A_566 = arith.muli %scan3A_564, %mul3A_565 : i32
      %add3A_567 = arith.constant 0 : i32
      %add3A_568 = arith.addi %add3A_567, %mul3A_566 : i32
      %iota3A_569 = tpu.iota {dimensions = array<i32: 0>} : vector<16xi32>
      %mul3A_570 = arith.constant 16 : i32
      %mul3A_571 = arith.muli %add3A_568, %mul3A_570 : i32
      %add3A_572 = vector.broadcast %mul3A_571 : i32 to vector<16xi32>
      %add3A_573 = arith.addi %iota3A_569, %add3A_572 : vector<16xi32>
      %mul3A_574 = arith.constant 16 : i32
      %mul3A_575 = arith.muli %add3A_568, %mul3A_574 : i32
      %get3A_576 = arith.constant 1 : i32
      %get3A_577 = arith.index_cast %get3A_576 : i32 to index
      %get3A_578 = arith.index_cast %mul3A_575 : i32 to index
      %get3A_579 = tpu.vector_load %arg10[%get3A_577, %get3A_578] {strides = array<i32>} : memref<4x3200xf32, #tpu.memory_space<vmem>>, vector<16xf32>,
      tpu.vector_store_idx %arg11[%add3A_573, %broadcast_in_dim3A_369], %get3A_579 : memref<3200x8xf32, #tpu.memory_space<vmem>>[vector<16xi32>, vector<16xi32>], vector<16xf32>,
    }
    %scan3A_374 = arith.constant 200 : i32
    %broadcast_in_dim3A_375 = arith.constant 2 : i32
    %broadcast_in_dim3A_376 = vector.broadcast %broadcast_in_dim3A_375 : i32 to vector<16xi32>
    %scan3A_377 = arith.constant 0 : i32
    %scan3A_378 = arith.constant 200 : i32
    %scan3A_379 = arith.addi %scan3A_377, %scan3A_378 : i32
    %scan3A_380 = arith.constant 4 : i32
    scf.for %scan3A_514 = %scan3A_377 to %scan3A_379 step %scan3A_380  : i32 {
      %mul3A_515 = arith.constant 1 : i32
      %mul3A_516 = arith.muli %scan3A_514, %mul3A_515 : i32
      %add3A_517 = arith.constant 0 : i32
      %add3A_518 = arith.addi %add3A_517, %mul3A_516 : i32
      %iota3A_519 = tpu.iota {dimensions = array<i32: 0>} : vector<16xi32>
      %mul3A_520 = arith.constant 16 : i32
      %mul3A_521 = arith.muli %add3A_518, %mul3A_520 : i32
      %add3A_522 = vector.broadcast %mul3A_521 : i32 to vector<16xi32>
      %add3A_523 = arith.addi %iota3A_519, %add3A_522 : vector<16xi32>
      %mul3A_524 = arith.constant 16 : i32
      %mul3A_525 = arith.muli %add3A_518, %mul3A_524 : i32
      %get3A = arith.constant 2 : i32
      %get3A_526 = arith.index_cast %get3A : i32 to index
      %get3A_527 = arith.index_cast %mul3A_525 : i32 to index
      %get3A_528 = tpu.vector_load %arg10[%get3A_526, %get3A_527] {strides = array<i32>} : memref<4x3200xf32, #tpu.memory_space<vmem>>, vector<16xf32>,
      tpu.vector_store_idx %arg11[%add3A_523, %broadcast_in_dim3A_376], %get3A_528 : memref<3200x8xf32, #tpu.memory_space<vmem>>[vector<16xi32>, vector<16xi32>], vector<16xf32>,
      %scan3A_529 = arith.constant 1 : i32
      %scan3A_530 = arith.addi %scan3A_514, %scan3A_529 : i32
      %mul3A_531 = arith.constant 1 : i32
      %mul3A_532 = arith.muli %scan3A_530, %mul3A_531 : i32
      %add3A_533 = arith.constant 0 : i32
      %add3A_534 = arith.addi %add3A_533, %mul3A_532 : i32
      %iota3A_535 = tpu.iota {dimensions = array<i32: 0>} : vector<16xi32>
      %mul3A_536 = arith.constant 16 : i32
      %mul3A_537 = arith.muli %add3A_534, %mul3A_536 : i32
      %add3A_538 = vector.broadcast %mul3A_537 : i32 to vector<16xi32>
      %add3A_539 = arith.addi %iota3A_535, %add3A_538 : vector<16xi32>
      %mul3A_540 = arith.constant 16 : i32
      %mul3A_541 = arith.muli %add3A_534, %mul3A_540 : i32
      %get3A_542 = arith.constant 2 : i32
      %get3A_543 = arith.index_cast %get3A_542 : i32 to index
      %get3A_544 = arith.index_cast %mul3A_541 : i32 to index
      %get3A_545 = tpu.vector_load %arg10[%get3A_543, %get3A_544] {strides = array<i32>} : memref<4x3200xf32, #tpu.memory_space<vmem>>, vector<16xf32>,
      tpu.vector_store_idx %arg11[%add3A_539, %broadcast_in_dim3A_376], %get3A_545 : memref<3200x8xf32, #tpu.memory_space<vmem>>[vector<16xi32>, vector<16xi32>], vector<16xf32>,
      %scan3A_546 = arith.constant 2 : i32
      %scan3A_547 = arith.addi %scan3A_514, %scan3A_546 : i32
      %mul3A_548 = arith.constant 1 : i32
      %mul3A_549 = arith.muli %scan3A_547, %mul3A_548 : i32
      %add3A_550 = arith.constant 0 : i32
      %add3A_551 = arith.addi %add3A_550, %mul3A_549 : i32
      %iota3A_552 = tpu.iota {dimensions = array<i32: 0>} : vector<16xi32>
      %mul3A_553 = arith.constant 16 : i32
      %mul3A_554 = arith.muli %add3A_551, %mul3A_553 : i32
      %add3A_555 = vector.broadcast %mul3A_554 : i32 to vector<16xi32>
      %add3A_556 = arith.addi %iota3A_552, %add3A_555 : vector<16xi32>
      %mul3A_557 = arith.constant 16 : i32
      %mul3A_558 = arith.muli %add3A_551, %mul3A_557 : i32
      %get3A_559 = arith.constant 2 : i32
      %get3A_560 = arith.index_cast %get3A_559 : i32 to index
      %get3A_561 = arith.index_cast %mul3A_558 : i32 to index
      %get3A_562 = tpu.vector_load %arg10[%get3A_560, %get3A_561] {strides = array<i32>} : memref<4x3200xf32, #tpu.memory_space<vmem>>, vector<16xf32>,
      tpu.vector_store_idx %arg11[%add3A_556, %broadcast_in_dim3A_376], %get3A_562 : memref<3200x8xf32, #tpu.memory_space<vmem>>[vector<16xi32>, vector<16xi32>], vector<16xf32>,
      %scan3A_563 = arith.constant 3 : i32
      %scan3A_564 = arith.addi %scan3A_514, %scan3A_563 : i32
      %mul3A_565 = arith.constant 1 : i32
      %mul3A_566 = arith.muli %scan3A_564, %mul3A_565 : i32
      %add3A_567 = arith.constant 0 : i32
      %add3A_568 = arith.addi %add3A_567, %mul3A_566 : i32
      %iota3A_569 = tpu.iota {dimensions = array<i32: 0>} : vector<16xi32>
      %mul3A_570 = arith.constant 16 : i32
      %mul3A_571 = arith.muli %add3A_568, %mul3A_570 : i32
      %add3A_572 = vector.broadcast %mul3A_571 : i32 to vector<16xi32>
      %add3A_573 = arith.addi %iota3A_569, %add3A_572 : vector<16xi32>
      %mul3A_574 = arith.constant 16 : i32
      %mul3A_575 = arith.muli %add3A_568, %mul3A_574 : i32
      %get3A_576 = arith.constant 2 : i32
      %get3A_577 = arith.index_cast %get3A_576 : i32 to index
      %get3A_578 = arith.index_cast %mul3A_575 : i32 to index
      %get3A_579 = tpu.vector_load %arg10[%get3A_577, %get3A_578] {strides = array<i32>} : memref<4x3200xf32, #tpu.memory_space<vmem>>, vector<16xf32>,
      tpu.vector_store_idx %arg11[%add3A_573, %broadcast_in_dim3A_376], %get3A_579 : memref<3200x8xf32, #tpu.memory_space<vmem>>[vector<16xi32>, vector<16xi32>], vector<16xf32>,
    }
    %scan3A_381 = arith.constant 200 : i32
    %broadcast_in_dim3A_382 = arith.constant 3 : i32
    %broadcast_in_dim3A_383 = vector.broadcast %broadcast_in_dim3A_382 : i32 to vector<16xi32>
    %scan3A_384 = arith.constant 0 : i32
    %scan3A_385 = arith.constant 200 : i32
    %scan3A_386 = arith.addi %scan3A_384, %scan3A_385 : i32
    %scan3A_387 = arith.constant 4 : i32
    scf.for %scan3A_514 = %scan3A_384 to %scan3A_386 step %scan3A_387  : i32 {
      %mul3A_515 = arith.constant 1 : i32
      %mul3A_516 = arith.muli %scan3A_514, %mul3A_515 : i32
      %add3A_517 = arith.constant 0 : i32
      %add3A_518 = arith.addi %add3A_517, %mul3A_516 : i32
      %iota3A_519 = tpu.iota {dimensions = array<i32: 0>} : vector<16xi32>
      %mul3A_520 = arith.constant 16 : i32
      %mul3A_521 = arith.muli %add3A_518, %mul3A_520 : i32
      %add3A_522 = vector.broadcast %mul3A_521 : i32 to vector<16xi32>
      %add3A_523 = arith.addi %iota3A_519, %add3A_522 : vector<16xi32>
      %mul3A_524 = arith.constant 16 : i32
      %mul3A_525 = arith.muli %add3A_518, %mul3A_524 : i32
      %get3A = arith.constant 3 : i32
      %get3A_526 = arith.index_cast %get3A : i32 to index
      %get3A_527 = arith.index_cast %mul3A_525 : i32 to index
      %get3A_528 = tpu.vector_load %arg10[%get3A_526, %get3A_527] {strides = array<i32>} : memref<4x3200xf32, #tpu.memory_space<vmem>>, vector<16xf32>,
      tpu.vector_store_idx %arg11[%add3A_523, %broadcast_in_dim3A_383], %get3A_528 : memref<3200x8xf32, #tpu.memory_space<vmem>>[vector<16xi32>, vector<16xi32>], vector<16xf32>,
      %scan3A_529 = arith.constant 1 : i32
      %scan3A_530 = arith.addi %scan3A_514, %scan3A_529 : i32
      %mul3A_531 = arith.constant 1 : i32
      %mul3A_532 = arith.muli %scan3A_530, %mul3A_531 : i32
      %add3A_533 = arith.constant 0 : i32
      %add3A_534 = arith.addi %add3A_533, %mul3A_532 : i32
      %iota3A_535 = tpu.iota {dimensions = array<i32: 0>} : vector<16xi32>
      %mul3A_536 = arith.constant 16 : i32
      %mul3A_537 = arith.muli %add3A_534, %mul3A_536 : i32
      %add3A_538 = vector.broadcast %mul3A_537 : i32 to vector<16xi32>
      %add3A_539 = arith.addi %iota3A_535, %add3A_538 : vector<16xi32>
      %mul3A_540 = arith.constant 16 : i32
      %mul3A_541 = arith.muli %add3A_534, %mul3A_540 : i32
      %get3A_542 = arith.constant 3 : i32
      %get3A_543 = arith.index_cast %get3A_542 : i32 to index
      %get3A_544 = arith.index_cast %mul3A_541 : i32 to index
      %get3A_545 = tpu.vector_load %arg10[%get3A_543, %get3A_544] {strides = array<i32>} : memref<4x3200xf32, #tpu.memory_space<vmem>>, vector<16xf32>,
      tpu.vector_store_idx %arg11[%add3A_539, %broadcast_in_dim3A_383], %get3A_545 : memref<3200x8xf32, #tpu.memory_space<vmem>>[vector<16xi32>, vector<16xi32>], vector<16xf32>,
      %scan3A_546 = arith.constant 2 : i32
      %scan3A_547 = arith.addi %scan3A_514, %scan3A_546 : i32
      %mul3A_548 = arith.constant 1 : i32
      %mul3A_549 = arith.muli %scan3A_547, %mul3A_548 : i32
      %add3A_550 = arith.constant 0 : i32
      %add3A_551 = arith.addi %add3A_550, %mul3A_549 : i32
      %iota3A_552 = tpu.iota {dimensions = array<i32: 0>} : vector<16xi32>
      %mul3A_553 = arith.constant 16 : i32
      %mul3A_554 = arith.muli %add3A_551, %mul3A_553 : i32
      %add3A_555 = vector.broadcast %mul3A_554 : i32 to vector<16xi32>
      %add3A_556 = arith.addi %iota3A_552, %add3A_555 : vector<16xi32>
      %mul3A_557 = arith.constant 16 : i32
      %mul3A_558 = arith.muli %add3A_551, %mul3A_557 : i32
      %get3A_559 = arith.constant 3 : i32
      %get3A_560 = arith.index_cast %get3A_559 : i32 to index
      %get3A_561 = arith.index_cast %mul3A_558 : i32 to index
      %get3A_562 = tpu.vector_load %arg10[%get3A_560, %get3A_561] {strides = array<i32>} : memref<4x3200xf32, #tpu.memory_space<vmem>>, vector<16xf32>,
      tpu.vector_store_idx %arg11[%add3A_556, %broadcast_in_dim3A_383], %get3A_562 : memref<3200x8xf32, #tpu.memory_space<vmem>>[vector<16xi32>, vector<16xi32>], vector<16xf32>,
      %scan3A_563 = arith.constant 3 : i32
      %scan3A_564 = arith.addi %scan3A_514, %scan3A_563 : i32
      %mul3A_565 = arith.constant 1 : i32
      %mul3A_566 = arith.muli %scan3A_564, %mul3A_565 : i32
      %add3A_567 = arith.constant 0 : i32
      %add3A_568 = arith.addi %add3A_567, %mul3A_566 : i32
      %iota3A_569 = tpu.iota {dimensions = array<i32: 0>} : vector<16xi32>
      %mul3A_570 = arith.constant 16 : i32
      %mul3A_571 = arith.muli %add3A_568, %mul3A_570 : i32
      %add3A_572 = vector.broadcast %mul3A_571 : i32 to vector<16xi32>
      %add3A_573 = arith.addi %iota3A_569, %add3A_572 : vector<16xi32>
      %mul3A_574 = arith.constant 16 : i32
      %mul3A_575 = arith.muli %add3A_568, %mul3A_574 : i32
      %get3A_576 = arith.constant 3 : i32
      %get3A_577 = arith.index_cast %get3A_576 : i32 to index
      %get3A_578 = arith.index_cast %mul3A_575 : i32 to index
      %get3A_579 = tpu.vector_load %arg10[%get3A_577, %get3A_578] {strides = array<i32>} : memref<4x3200xf32, #tpu.memory_space<vmem>>, vector<16xf32>,
      tpu.vector_store_idx %arg11[%add3A_573, %broadcast_in_dim3A_383], %get3A_579 : memref<3200x8xf32, #tpu.memory_space<vmem>>[vector<16xi32>, vector<16xi32>], vector<16xf32>,
    }
    %scan3A_388 = arith.constant 200 : i32
    "tpu.region"() ({
      %run_scoped3A = tpu.sem_alloc : memref<!tpu.dma_semaphore, #tpu.memory_space<semaphore_mem>>
      %dma_start3A_514 = arith.constant 0 : i32
      %dma_start3A_515 = tpu.memref_slice %arg20[%add3A_288, %dma_start3A_514] : memref<102400x8xf32, #tpu.memory_space<vmem_shared>> -> memref<3200x8xf32, #tpu.memory_space<vmem_shared>>
      %dma_start3A_516 = arith.constant 0 : i32
      %dma_start3A_517 = tpu.memref_slice %arg20[%add3A_288, %dma_start3A_516] : memref<102400x8xf32, #tpu.memory_space<vmem_shared>> -> memref<3200x8xf32, #tpu.memory_space<vmem_shared>>
      tpu.enqueue_dma source(%arg11 : memref<3200x8xf32, #tpu.memory_space<vmem>>) target(%dma_start3A_517 : memref<3200x8xf32, #tpu.memory_space<vmem_shared>>) target_semaphore(%run_scoped3A : memref<!tpu.dma_semaphore, #tpu.memory_space<semaphore_mem>>)
      %dma_wait3A_518 = arith.constant 0 : i32
      %dma_wait3A_519 = tpu.memref_slice %arg20[%add3A_288, %dma_wait3A_518] : memref<102400x8xf32, #tpu.memory_space<vmem_shared>> -> memref<3200x8xf32, #tpu.memory_space<vmem_shared>>
      %dma_wait3A_520 = arith.constant 0 : i32
      %dma_wait3A_521 = tpu.memref_slice %arg20[%add3A_288, %dma_wait3A_520] : memref<102400x8xf32, #tpu.memory_space<vmem_shared>> -> memref<3200x8xf32, #tpu.memory_space<vmem_shared>>
      tpu.wait_dma2 semaphore(%run_scoped3A : memref<!tpu.dma_semaphore, #tpu.memory_space<semaphore_mem>>) src(%arg11 : memref<3200x8xf32, #tpu.memory_space<vmem>>) dst(%dma_wait3A_521 : memref<3200x8xf32, #tpu.memory_space<vmem_shared>>)
      tpu.yield
    }) : () -> ()
    %barrier3A = arith.constant 0 : index
    tpu.barrier barrier_id(%barrier3A)
    %dma_wait3A_389 = arith.constant 0 : i32
    %dma_wait3A_390 = arith.constant 0 : i32
    %dma_wait3A_391 = tpu.memref_slice %arg6[%dma_wait3A_389, %dma_wait3A_390] : memref<6400x128xi32, #tpu.memory_space<hbm>> -> memref<6400x128xi32, #tpu.memory_space<hbm>>
    tpu.wait_indirect_dma semaphore(%arg21 : memref<!tpu.dma_semaphore, #tpu.memory_space<semaphore_mem>>) src(%dma_wait3A_391 : memref<6400x128xi32, #tpu.memory_space<hbm>>) dst(%arg9 : memref<208x128xi32, #tpu.memory_space<vmem>>)
    %dma_start3A_392 = arith.constant 0 : i32
    %dma_start3A_393 = arith.constant 0 : i32
    %dma_start3A_394 = tpu.memref_slice %arg9[%dma_start3A_392, %dma_start3A_393] : memref<208x128xi32, #tpu.memory_space<vmem>> -> memref<1x128xi32, #tpu.memory_space<vmem>>
    %dma_start3A_395 = tpu.memref_squeeze %dma_start3A_394 : memref<1x128xi32, #tpu.memory_space<vmem>> -> memref<128xi32, #tpu.memory_space<vmem>>
    %dma_start3A_396 = arith.constant 0 : i32
    %dma_start3A_397 = arith.constant 0 : i32
    %dma_start3A_398 = tpu.memref_slice %arg20[%dma_start3A_396, %dma_start3A_397] : memref<102400x8xf32, #tpu.memory_space<vmem_shared>> -> memref<102400x8xf32, #tpu.memory_space<vmem_shared>>
    tpu.enqueue_indirect_dma source(%dma_start3A_398 : memref<102400x8xf32, #tpu.memory_space<vmem_shared>>) target(%arg12 : memref<128x8xf32, #tpu.memory_space<vmem>>) offsets(%dma_start3A_395 : memref<128xi32, #tpu.memory_space<vmem>>) semaphore(%arg21 : memref<!tpu.dma_semaphore, #tpu.memory_space<semaphore_mem>>)
    %dma_start3A_399 = arith.constant 1 : i32
    %dma_start3A_400 = arith.constant 0 : i32
    %dma_start3A_401 = tpu.memref_slice %arg9[%dma_start3A_399, %dma_start3A_400] : memref<208x128xi32, #tpu.memory_space<vmem>> -> memref<1x128xi32, #tpu.memory_space<vmem>>
    %dma_start3A_402 = tpu.memref_squeeze %dma_start3A_401 : memref<1x128xi32, #tpu.memory_space<vmem>> -> memref<128xi32, #tpu.memory_space<vmem>>
    %dma_start3A_403 = arith.constant 0 : i32
    %dma_start3A_404 = arith.constant 0 : i32
    %dma_start3A_405 = tpu.memref_slice %arg20[%dma_start3A_403, %dma_start3A_404] : memref<102400x8xf32, #tpu.memory_space<vmem_shared>> -> memref<102400x8xf32, #tpu.memory_space<vmem_shared>>
    tpu.enqueue_indirect_dma source(%dma_start3A_405 : memref<102400x8xf32, #tpu.memory_space<vmem_shared>>) target(%arg13 : memref<128x8xf32, #tpu.memory_space<vmem>>) offsets(%dma_start3A_402 : memref<128xi32, #tpu.memory_space<vmem>>) semaphore(%arg22 : memref<!tpu.dma_semaphore, #tpu.memory_space<semaphore_mem>>)
    %dma_start3A_406 = arith.constant 2 : i32
    %dma_start3A_407 = arith.constant 0 : i32
    %dma_start3A_408 = tpu.memref_slice %arg9[%dma_start3A_406, %dma_start3A_407] : memref<208x128xi32, #tpu.memory_space<vmem>> -> memref<1x128xi32, #tpu.memory_space<vmem>>
    %dma_start3A_409 = tpu.memref_squeeze %dma_start3A_408 : memref<1x128xi32, #tpu.memory_space<vmem>> -> memref<128xi32, #tpu.memory_space<vmem>>
    %dma_start3A_410 = arith.constant 0 : i32
    %dma_start3A_411 = arith.constant 0 : i32
    %dma_start3A_412 = tpu.memref_slice %arg20[%dma_start3A_410, %dma_start3A_411] : memref<102400x8xf32, #tpu.memory_space<vmem_shared>> -> memref<102400x8xf32, #tpu.memory_space<vmem_shared>>
    tpu.enqueue_indirect_dma source(%dma_start3A_412 : memref<102400x8xf32, #tpu.memory_space<vmem_shared>>) target(%arg14 : memref<128x8xf32, #tpu.memory_space<vmem>>) offsets(%dma_start3A_409 : memref<128xi32, #tpu.memory_space<vmem>>) semaphore(%arg23 : memref<!tpu.dma_semaphore, #tpu.memory_space<semaphore_mem>>)
    %dma_start3A_413 = arith.constant 3 : i32
    %dma_start3A_414 = arith.constant 0 : i32
    %dma_start3A_415 = tpu.memref_slice %arg9[%dma_start3A_413, %dma_start3A_414] : memref<208x128xi32, #tpu.memory_space<vmem>> -> memref<1x128xi32, #tpu.memory_space<vmem>>
    %dma_start3A_416 = tpu.memref_squeeze %dma_start3A_415 : memref<1x128xi32, #tpu.memory_space<vmem>> -> memref<128xi32, #tpu.memory_space<vmem>>
    %dma_start3A_417 = arith.constant 0 : i32
    %dma_start3A_418 = arith.constant 0 : i32
    %dma_start3A_419 = tpu.memref_slice %arg20[%dma_start3A_417, %dma_start3A_418] : memref<102400x8xf32, #tpu.memory_space<vmem_shared>> -> memref<102400x8xf32, #tpu.memory_space<vmem_shared>>
    tpu.enqueue_indirect_dma source(%dma_start3A_419 : memref<102400x8xf32, #tpu.memory_space<vmem_shared>>) target(%arg15 : memref<128x8xf32, #tpu.memory_space<vmem>>) offsets(%dma_start3A_416 : memref<128xi32, #tpu.memory_space<vmem>>) semaphore(%arg24 : memref<!tpu.dma_semaphore, #tpu.memory_space<semaphore_mem>>)
    %dma_start3A_420 = arith.constant 4 : i32
    %dma_start3A_421 = arith.constant 0 : i32
    %dma_start3A_422 = tpu.memref_slice %arg9[%dma_start3A_420, %dma_start3A_421] : memref<208x128xi32, #tpu.memory_space<vmem>> -> memref<1x128xi32, #tpu.memory_space<vmem>>
    %dma_start3A_423 = tpu.memref_squeeze %dma_start3A_422 : memref<1x128xi32, #tpu.memory_space<vmem>> -> memref<128xi32, #tpu.memory_space<vmem>>
    %dma_start3A_424 = arith.constant 0 : i32
    %dma_start3A_425 = arith.constant 0 : i32
    %dma_start3A_426 = tpu.memref_slice %arg20[%dma_start3A_424, %dma_start3A_425] : memref<102400x8xf32, #tpu.memory_space<vmem_shared>> -> memref<102400x8xf32, #tpu.memory_space<vmem_shared>>
    tpu.enqueue_indirect_dma source(%dma_start3A_426 : memref<102400x8xf32, #tpu.memory_space<vmem_shared>>) target(%arg16 : memref<128x8xf32, #tpu.memory_space<vmem>>) offsets(%dma_start3A_423 : memref<128xi32, #tpu.memory_space<vmem>>) semaphore(%arg25 : memref<!tpu.dma_semaphore, #tpu.memory_space<semaphore_mem>>)
    %dma_start3A_427 = arith.constant 5 : i32
    %dma_start3A_428 = arith.constant 0 : i32
    %dma_start3A_429 = tpu.memref_slice %arg9[%dma_start3A_427, %dma_start3A_428] : memref<208x128xi32, #tpu.memory_space<vmem>> -> memref<1x128xi32, #tpu.memory_space<vmem>>
    %dma_start3A_430 = tpu.memref_squeeze %dma_start3A_429 : memref<1x128xi32, #tpu.memory_space<vmem>> -> memref<128xi32, #tpu.memory_space<vmem>>
    %dma_start3A_431 = arith.constant 0 : i32
    %dma_start3A_432 = arith.constant 0 : i32
    %dma_start3A_433 = tpu.memref_slice %arg20[%dma_start3A_431, %dma_start3A_432] : memref<102400x8xf32, #tpu.memory_space<vmem_shared>> -> memref<102400x8xf32, #tpu.memory_space<vmem_shared>>
    tpu.enqueue_indirect_dma source(%dma_start3A_433 : memref<102400x8xf32, #tpu.memory_space<vmem_shared>>) target(%arg17 : memref<128x8xf32, #tpu.memory_space<vmem>>) offsets(%dma_start3A_430 : memref<128xi32, #tpu.memory_space<vmem>>) semaphore(%arg26 : memref<!tpu.dma_semaphore, #tpu.memory_space<semaphore_mem>>)
    %dma_start3A_434 = arith.constant 6 : i32
    %dma_start3A_435 = arith.constant 0 : i32
    %dma_start3A_436 = tpu.memref_slice %arg9[%dma_start3A_434, %dma_start3A_435] : memref<208x128xi32, #tpu.memory_space<vmem>> -> memref<1x128xi32, #tpu.memory_space<vmem>>
    %dma_start3A_437 = tpu.memref_squeeze %dma_start3A_436 : memref<1x128xi32, #tpu.memory_space<vmem>> -> memref<128xi32, #tpu.memory_space<vmem>>
    %dma_start3A_438 = arith.constant 0 : i32
    %dma_start3A_439 = arith.constant 0 : i32
    %dma_start3A_440 = tpu.memref_slice %arg20[%dma_start3A_438, %dma_start3A_439] : memref<102400x8xf32, #tpu.memory_space<vmem_shared>> -> memref<102400x8xf32, #tpu.memory_space<vmem_shared>>
    tpu.enqueue_indirect_dma source(%dma_start3A_440 : memref<102400x8xf32, #tpu.memory_space<vmem_shared>>) target(%arg18 : memref<128x8xf32, #tpu.memory_space<vmem>>) offsets(%dma_start3A_437 : memref<128xi32, #tpu.memory_space<vmem>>) semaphore(%arg27 : memref<!tpu.dma_semaphore, #tpu.memory_space<semaphore_mem>>)
    %dma_start3A_441 = arith.constant 7 : i32
    %dma_start3A_442 = arith.constant 0 : i32
    %dma_start3A_443 = tpu.memref_slice %arg9[%dma_start3A_441, %dma_start3A_442] : memref<208x128xi32, #tpu.memory_space<vmem>> -> memref<1x128xi32, #tpu.memory_space<vmem>>
    %dma_start3A_444 = tpu.memref_squeeze %dma_start3A_443 : memref<1x128xi32, #tpu.memory_space<vmem>> -> memref<128xi32, #tpu.memory_space<vmem>>
    %dma_start3A_445 = arith.constant 0 : i32
    %dma_start3A_446 = arith.constant 0 : i32
    %dma_start3A_447 = tpu.memref_slice %arg20[%dma_start3A_445, %dma_start3A_446] : memref<102400x8xf32, #tpu.memory_space<vmem_shared>> -> memref<102400x8xf32, #tpu.memory_space<vmem_shared>>
    tpu.enqueue_indirect_dma source(%dma_start3A_447 : memref<102400x8xf32, #tpu.memory_space<vmem_shared>>) target(%arg19 : memref<128x8xf32, #tpu.memory_space<vmem>>) offsets(%dma_start3A_444 : memref<128xi32, #tpu.memory_space<vmem>>) semaphore(%arg28 : memref<!tpu.dma_semaphore, #tpu.memory_space<semaphore_mem>>)
    %scan3A_448 = arith.constant 0 : i32
    %scan3A_449 = arith.constant 24 : i32
    %scan3A_450 = arith.addi %scan3A_448, %scan3A_449 : i32
    %scan3A_451 = arith.constant 1 : i32
    scf.for %scan3A_514 = %scan3A_448 to %scan3A_450 step %scan3A_451  : i32 {
      %mul3A_515 = arith.constant 1 : i32
      %mul3A_516 = arith.muli %scan3A_514, %mul3A_515 : i32
      %add3A_517 = arith.constant 1 : i32
      %add3A_518 = arith.addi %add3A_517, %mul3A_516 : i32
      %mul3A_519 = arith.constant 8 : i32
      %mul3A_520 = arith.muli %add3A_518, %mul3A_519 : i32
      %add3A_521 = arith.constant 0 : i32
      %add3A_522 = arith.addi %mul3A_520, %add3A_521 : i32
      %dma_wait3A_523 = arith.constant 0 : i32
      %dma_wait3A_524 = arith.constant 0 : i32
      %dma_wait3A_525 = tpu.memref_slice %arg9[%dma_wait3A_523, %dma_wait3A_524] : memref<208x128xi32, #tpu.memory_space<vmem>> -> memref<1x128xi32, #tpu.memory_space<vmem>>
      %dma_wait3A_526 = tpu.memref_squeeze %dma_wait3A_525 : memref<1x128xi32, #tpu.memory_space<vmem>> -> memref<128xi32, #tpu.memory_space<vmem>>
      %dma_wait3A_527 = arith.constant 0 : i32
      %dma_wait3A_528 = arith.constant 0 : i32
      %dma_wait3A_529 = tpu.memref_slice %arg20[%dma_wait3A_527, %dma_wait3A_528] : memref<102400x8xf32, #tpu.memory_space<vmem_shared>> -> memref<102400x8xf32, #tpu.memory_space<vmem_shared>>
      tpu.wait_indirect_dma semaphore(%arg21 : memref<!tpu.dma_semaphore, #tpu.memory_space<semaphore_mem>>) src(%dma_wait3A_529 : memref<102400x8xf32, #tpu.memory_space<vmem_shared>>) dst(%arg12 : memref<128x8xf32, #tpu.memory_space<vmem>>)
      %dma_start3A_530 = arith.constant 0 : i32
      %dma_start3A_531 = tpu.memref_slice %arg9[%add3A_522, %dma_start3A_530] : memref<208x128xi32, #tpu.memory_space<vmem>> -> memref<1x128xi32, #tpu.memory_space<vmem>>
      %dma_start3A_532 = tpu.memref_squeeze %dma_start3A_531 : memref<1x128xi32, #tpu.memory_space<vmem>> -> memref<128xi32, #tpu.memory_space<vmem>>
      %dma_start3A_533 = arith.constant 0 : i32
      %dma_start3A_534 = arith.constant 0 : i32
      %dma_start3A_535 = tpu.memref_slice %arg20[%dma_start3A_533, %dma_start3A_534] : memref<102400x8xf32, #tpu.memory_space<vmem_shared>> -> memref<102400x8xf32, #tpu.memory_space<vmem_shared>>
      tpu.enqueue_indirect_dma source(%dma_start3A_535 : memref<102400x8xf32, #tpu.memory_space<vmem_shared>>) target(%arg12 : memref<128x8xf32, #tpu.memory_space<vmem>>) offsets(%dma_start3A_532 : memref<128xi32, #tpu.memory_space<vmem>>) semaphore(%arg21 : memref<!tpu.dma_semaphore, #tpu.memory_space<semaphore_mem>>) {add = true}
      %mul3A_536 = arith.constant 8 : i32
      %mul3A_537 = arith.muli %add3A_518, %mul3A_536 : i32
      %add3A_538 = arith.constant 1 : i32
      %add3A_539 = arith.addi %mul3A_537, %add3A_538 : i32
      %dma_wait3A_540 = arith.constant 1 : i32
      %dma_wait3A_541 = arith.constant 0 : i32
      %dma_wait3A_542 = tpu.memref_slice %arg9[%dma_wait3A_540, %dma_wait3A_541] : memref<208x128xi32, #tpu.memory_space<vmem>> -> memref<1x128xi32, #tpu.memory_space<vmem>>
      %dma_wait3A_543 = tpu.memref_squeeze %dma_wait3A_542 : memref<1x128xi32, #tpu.memory_space<vmem>> -> memref<128xi32, #tpu.memory_space<vmem>>
      %dma_wait3A_544 = arith.constant 0 : i32
      %dma_wait3A_545 = arith.constant 0 : i32
      %dma_wait3A_546 = tpu.memref_slice %arg20[%dma_wait3A_544, %dma_wait3A_545] : memref<102400x8xf32, #tpu.memory_space<vmem_shared>> -> memref<102400x8xf32, #tpu.memory_space<vmem_shared>>
      tpu.wait_indirect_dma semaphore(%arg22 : memref<!tpu.dma_semaphore, #tpu.memory_space<semaphore_mem>>) src(%dma_wait3A_546 : memref<102400x8xf32, #tpu.memory_space<vmem_shared>>) dst(%arg13 : memref<128x8xf32, #tpu.memory_space<vmem>>)
      %dma_start3A_547 = arith.constant 0 : i32
      %dma_start3A_548 = tpu.memref_slice %arg9[%add3A_539, %dma_start3A_547] : memref<208x128xi32, #tpu.memory_space<vmem>> -> memref<1x128xi32, #tpu.memory_space<vmem>>
      %dma_start3A_549 = tpu.memref_squeeze %dma_start3A_548 : memref<1x128xi32, #tpu.memory_space<vmem>> -> memref<128xi32, #tpu.memory_space<vmem>>
      %dma_start3A_550 = arith.constant 0 : i32
      %dma_start3A_551 = arith.constant 0 : i32
      %dma_start3A_552 = tpu.memref_slice %arg20[%dma_start3A_550, %dma_start3A_551] : memref<102400x8xf32, #tpu.memory_space<vmem_shared>> -> memref<102400x8xf32, #tpu.memory_space<vmem_shared>>
      tpu.enqueue_indirect_dma source(%dma_start3A_552 : memref<102400x8xf32, #tpu.memory_space<vmem_shared>>) target(%arg13 : memref<128x8xf32, #tpu.memory_space<vmem>>) offsets(%dma_start3A_549 : memref<128xi32, #tpu.memory_space<vmem>>) semaphore(%arg22 : memref<!tpu.dma_semaphore, #tpu.memory_space<semaphore_mem>>) {add = true}
      %mul3A_553 = arith.constant 8 : i32
      %mul3A_554 = arith.muli %add3A_518, %mul3A_553 : i32
      %add3A_555 = arith.constant 2 : i32
      %add3A_556 = arith.addi %mul3A_554, %add3A_555 : i32
      %dma_wait3A_557 = arith.constant 2 : i32
      %dma_wait3A_558 = arith.constant 0 : i32
      %dma_wait3A_559 = tpu.memref_slice %arg9[%dma_wait3A_557, %dma_wait3A_558] : memref<208x128xi32, #tpu.memory_space<vmem>> -> memref<1x128xi32, #tpu.memory_space<vmem>>
      %dma_wait3A_560 = tpu.memref_squeeze %dma_wait3A_559 : memref<1x128xi32, #tpu.memory_space<vmem>> -> memref<128xi32, #tpu.memory_space<vmem>>
      %dma_wait3A_561 = arith.constant 0 : i32
      %dma_wait3A_562 = arith.constant 0 : i32
      %dma_wait3A_563 = tpu.memref_slice %arg20[%dma_wait3A_561, %dma_wait3A_562] : memref<102400x8xf32, #tpu.memory_space<vmem_shared>> -> memref<102400x8xf32, #tpu.memory_space<vmem_shared>>
      tpu.wait_indirect_dma semaphore(%arg23 : memref<!tpu.dma_semaphore, #tpu.memory_space<semaphore_mem>>) src(%dma_wait3A_563 : memref<102400x8xf32, #tpu.memory_space<vmem_shared>>) dst(%arg14 : memref<128x8xf32, #tpu.memory_space<vmem>>)
      %dma_start3A_564 = arith.constant 0 : i32
      %dma_start3A_565 = tpu.memref_slice %arg9[%add3A_556, %dma_start3A_564] : memref<208x128xi32, #tpu.memory_space<vmem>> -> memref<1x128xi32, #tpu.memory_space<vmem>>
      %dma_start3A_566 = tpu.memref_squeeze %dma_start3A_565 : memref<1x128xi32, #tpu.memory_space<vmem>> -> memref<128xi32, #tpu.memory_space<vmem>>
      %dma_start3A_567 = arith.constant 0 : i32
      %dma_start3A_568 = arith.constant 0 : i32
      %dma_start3A_569 = tpu.memref_slice %arg20[%dma_start3A_567, %dma_start3A_568] : memref<102400x8xf32, #tpu.memory_space<vmem_shared>> -> memref<102400x8xf32, #tpu.memory_space<vmem_shared>>
      tpu.enqueue_indirect_dma source(%dma_start3A_569 : memref<102400x8xf32, #tpu.memory_space<vmem_shared>>) target(%arg14 : memref<128x8xf32, #tpu.memory_space<vmem>>) offsets(%dma_start3A_566 : memref<128xi32, #tpu.memory_space<vmem>>) semaphore(%arg23 : memref<!tpu.dma_semaphore, #tpu.memory_space<semaphore_mem>>) {add = true}
      %mul3A_570 = arith.constant 8 : i32
      %mul3A_571 = arith.muli %add3A_518, %mul3A_570 : i32
      %add3A_572 = arith.constant 3 : i32
      %add3A_573 = arith.addi %mul3A_571, %add3A_572 : i32
      %dma_wait3A_574 = arith.constant 3 : i32
      %dma_wait3A_575 = arith.constant 0 : i32
      %dma_wait3A_576 = tpu.memref_slice %arg9[%dma_wait3A_574, %dma_wait3A_575] : memref<208x128xi32, #tpu.memory_space<vmem>> -> memref<1x128xi32, #tpu.memory_space<vmem>>
      %dma_wait3A_577 = tpu.memref_squeeze %dma_wait3A_576 : memref<1x128xi32, #tpu.memory_space<vmem>> -> memref<128xi32, #tpu.memory_space<vmem>>
      %dma_wait3A_578 = arith.constant 0 : i32
      %dma_wait3A_579 = arith.constant 0 : i32
      %dma_wait3A_580 = tpu.memref_slice %arg20[%dma_wait3A_578, %dma_wait3A_579] : memref<102400x8xf32, #tpu.memory_space<vmem_shared>> -> memref<102400x8xf32, #tpu.memory_space<vmem_shared>>
      tpu.wait_indirect_dma semaphore(%arg24 : memref<!tpu.dma_semaphore, #tpu.memory_space<semaphore_mem>>) src(%dma_wait3A_580 : memref<102400x8xf32, #tpu.memory_space<vmem_shared>>) dst(%arg15 : memref<128x8xf32, #tpu.memory_space<vmem>>)
      %dma_start3A_581 = arith.constant 0 : i32
      %dma_start3A_582 = tpu.memref_slice %arg9[%add3A_573, %dma_start3A_581] : memref<208x128xi32, #tpu.memory_space<vmem>> -> memref<1x128xi32, #tpu.memory_space<vmem>>
      %dma_start3A_583 = tpu.memref_squeeze %dma_start3A_582 : memref<1x128xi32, #tpu.memory_space<vmem>> -> memref<128xi32, #tpu.memory_space<vmem>>
      %dma_start3A_584 = arith.constant 0 : i32
      %dma_start3A_585 = arith.constant 0 : i32
      %dma_start3A_586 = tpu.memref_slice %arg20[%dma_start3A_584, %dma_start3A_585] : memref<102400x8xf32, #tpu.memory_space<vmem_shared>> -> memref<102400x8xf32, #tpu.memory_space<vmem_shared>>
      tpu.enqueue_indirect_dma source(%dma_start3A_586 : memref<102400x8xf32, #tpu.memory_space<vmem_shared>>) target(%arg15 : memref<128x8xf32, #tpu.memory_space<vmem>>) offsets(%dma_start3A_583 : memref<128xi32, #tpu.memory_space<vmem>>) semaphore(%arg24 : memref<!tpu.dma_semaphore, #tpu.memory_space<semaphore_mem>>) {add = true}
      %mul3A_587 = arith.constant 8 : i32
      %mul3A_588 = arith.muli %add3A_518, %mul3A_587 : i32
      %add3A_589 = arith.constant 4 : i32
      %add3A_590 = arith.addi %mul3A_588, %add3A_589 : i32
      %dma_wait3A_591 = arith.constant 4 : i32
      %dma_wait3A_592 = arith.constant 0 : i32
      %dma_wait3A_593 = tpu.memref_slice %arg9[%dma_wait3A_591, %dma_wait3A_592] : memref<208x128xi32, #tpu.memory_space<vmem>> -> memref<1x128xi32, #tpu.memory_space<vmem>>
      %dma_wait3A_594 = tpu.memref_squeeze %dma_wait3A_593 : memref<1x128xi32, #tpu.memory_space<vmem>> -> memref<128xi32, #tpu.memory_space<vmem>>
      %dma_wait3A_595 = arith.constant 0 : i32
      %dma_wait3A_596 = arith.constant 0 : i32
      %dma_wait3A_597 = tpu.memref_slice %arg20[%dma_wait3A_595, %dma_wait3A_596] : memref<102400x8xf32, #tpu.memory_space<vmem_shared>> -> memref<102400x8xf32, #tpu.memory_space<vmem_shared>>
      tpu.wait_indirect_dma semaphore(%arg25 : memref<!tpu.dma_semaphore, #tpu.memory_space<semaphore_mem>>) src(%dma_wait3A_597 : memref<102400x8xf32, #tpu.memory_space<vmem_shared>>) dst(%arg16 : memref<128x8xf32, #tpu.memory_space<vmem>>)
      %dma_start3A_598 = arith.constant 0 : i32
      %dma_start3A_599 = tpu.memref_slice %arg9[%add3A_590, %dma_start3A_598] : memref<208x128xi32, #tpu.memory_space<vmem>> -> memref<1x128xi32, #tpu.memory_space<vmem>>
      %dma_start3A_600 = tpu.memref_squeeze %dma_start3A_599 : memref<1x128xi32, #tpu.memory_space<vmem>> -> memref<128xi32, #tpu.memory_space<vmem>>
      %dma_start3A_601 = arith.constant 0 : i32
      %dma_start3A_602 = arith.constant 0 : i32
      %dma_start3A_603 = tpu.memref_slice %arg20[%dma_start3A_601, %dma_start3A_602] : memref<102400x8xf32, #tpu.memory_space<vmem_shared>> -> memref<102400x8xf32, #tpu.memory_space<vmem_shared>>
      tpu.enqueue_indirect_dma source(%dma_start3A_603 : memref<102400x8xf32, #tpu.memory_space<vmem_shared>>) target(%arg16 : memref<128x8xf32, #tpu.memory_space<vmem>>) offsets(%dma_start3A_600 : memref<128xi32, #tpu.memory_space<vmem>>) semaphore(%arg25 : memref<!tpu.dma_semaphore, #tpu.memory_space<semaphore_mem>>) {add = true}
      %mul3A_604 = arith.constant 8 : i32
      %mul3A_605 = arith.muli %add3A_518, %mul3A_604 : i32
      %add3A_606 = arith.constant 5 : i32
      %add3A_607 = arith.addi %mul3A_605, %add3A_606 : i32
      %dma_wait3A_608 = arith.constant 5 : i32
      %dma_wait3A_609 = arith.constant 0 : i32
      %dma_wait3A_610 = tpu.memref_slice %arg9[%dma_wait3A_608, %dma_wait3A_609] : memref<208x128xi32, #tpu.memory_space<vmem>> -> memref<1x128xi32, #tpu.memory_space<vmem>>
      %dma_wait3A_611 = tpu.memref_squeeze %dma_wait3A_610 : memref<1x128xi32, #tpu.memory_space<vmem>> -> memref<128xi32, #tpu.memory_space<vmem>>
      %dma_wait3A_612 = arith.constant 0 : i32
      %dma_wait3A_613 = arith.constant 0 : i32
      %dma_wait3A_614 = tpu.memref_slice %arg20[%dma_wait3A_612, %dma_wait3A_613] : memref<102400x8xf32, #tpu.memory_space<vmem_shared>> -> memref<102400x8xf32, #tpu.memory_space<vmem_shared>>
      tpu.wait_indirect_dma semaphore(%arg26 : memref<!tpu.dma_semaphore, #tpu.memory_space<semaphore_mem>>) src(%dma_wait3A_614 : memref<102400x8xf32, #tpu.memory_space<vmem_shared>>) dst(%arg17 : memref<128x8xf32, #tpu.memory_space<vmem>>)
      %dma_start3A_615 = arith.constant 0 : i32
      %dma_start3A_616 = tpu.memref_slice %arg9[%add3A_607, %dma_start3A_615] : memref<208x128xi32, #tpu.memory_space<vmem>> -> memref<1x128xi32, #tpu.memory_space<vmem>>
      %dma_start3A_617 = tpu.memref_squeeze %dma_start3A_616 : memref<1x128xi32, #tpu.memory_space<vmem>> -> memref<128xi32, #tpu.memory_space<vmem>>
      %dma_start3A_618 = arith.constant 0 : i32
      %dma_start3A_619 = arith.constant 0 : i32
      %dma_start3A_620 = tpu.memref_slice %arg20[%dma_start3A_618, %dma_start3A_619] : memref<102400x8xf32, #tpu.memory_space<vmem_shared>> -> memref<102400x8xf32, #tpu.memory_space<vmem_shared>>
      tpu.enqueue_indirect_dma source(%dma_start3A_620 : memref<102400x8xf32, #tpu.memory_space<vmem_shared>>) target(%arg17 : memref<128x8xf32, #tpu.memory_space<vmem>>) offsets(%dma_start3A_617 : memref<128xi32, #tpu.memory_space<vmem>>) semaphore(%arg26 : memref<!tpu.dma_semaphore, #tpu.memory_space<semaphore_mem>>) {add = true}
      %mul3A_621 = arith.constant 8 : i32
      %mul3A_622 = arith.muli %add3A_518, %mul3A_621 : i32
      %add3A_623 = arith.constant 6 : i32
      %add3A_624 = arith.addi %mul3A_622, %add3A_623 : i32
      %dma_wait3A_625 = arith.constant 6 : i32
      %dma_wait3A_626 = arith.constant 0 : i32
      %dma_wait3A_627 = tpu.memref_slice %arg9[%dma_wait3A_625, %dma_wait3A_626] : memref<208x128xi32, #tpu.memory_space<vmem>> -> memref<1x128xi32, #tpu.memory_space<vmem>>
      %dma_wait3A_628 = tpu.memref_squeeze %dma_wait3A_627 : memref<1x128xi32, #tpu.memory_space<vmem>> -> memref<128xi32, #tpu.memory_space<vmem>>
      %dma_wait3A_629 = arith.constant 0 : i32
      %dma_wait3A_630 = arith.constant 0 : i32
      %dma_wait3A_631 = tpu.memref_slice %arg20[%dma_wait3A_629, %dma_wait3A_630] : memref<102400x8xf32, #tpu.memory_space<vmem_shared>> -> memref<102400x8xf32, #tpu.memory_space<vmem_shared>>
      tpu.wait_indirect_dma semaphore(%arg27 : memref<!tpu.dma_semaphore, #tpu.memory_space<semaphore_mem>>) src(%dma_wait3A_631 : memref<102400x8xf32, #tpu.memory_space<vmem_shared>>) dst(%arg18 : memref<128x8xf32, #tpu.memory_space<vmem>>)
      %dma_start3A_632 = arith.constant 0 : i32
      %dma_start3A_633 = tpu.memref_slice %arg9[%add3A_624, %dma_start3A_632] : memref<208x128xi32, #tpu.memory_space<vmem>> -> memref<1x128xi32, #tpu.memory_space<vmem>>
      %dma_start3A_634 = tpu.memref_squeeze %dma_start3A_633 : memref<1x128xi32, #tpu.memory_space<vmem>> -> memref<128xi32, #tpu.memory_space<vmem>>
      %dma_start3A_635 = arith.constant 0 : i32
      %dma_start3A_636 = arith.constant 0 : i32
      %dma_start3A_637 = tpu.memref_slice %arg20[%dma_start3A_635, %dma_start3A_636] : memref<102400x8xf32, #tpu.memory_space<vmem_shared>> -> memref<102400x8xf32, #tpu.memory_space<vmem_shared>>
      tpu.enqueue_indirect_dma source(%dma_start3A_637 : memref<102400x8xf32, #tpu.memory_space<vmem_shared>>) target(%arg18 : memref<128x8xf32, #tpu.memory_space<vmem>>) offsets(%dma_start3A_634 : memref<128xi32, #tpu.memory_space<vmem>>) semaphore(%arg27 : memref<!tpu.dma_semaphore, #tpu.memory_space<semaphore_mem>>) {add = true}
      %mul3A_638 = arith.constant 8 : i32
      %mul3A_639 = arith.muli %add3A_518, %mul3A_638 : i32
      %add3A_640 = arith.constant 7 : i32
      %add3A_641 = arith.addi %mul3A_639, %add3A_640 : i32
      %dma_wait3A_642 = arith.constant 7 : i32
      %dma_wait3A_643 = arith.constant 0 : i32
      %dma_wait3A_644 = tpu.memref_slice %arg9[%dma_wait3A_642, %dma_wait3A_643] : memref<208x128xi32, #tpu.memory_space<vmem>> -> memref<1x128xi32, #tpu.memory_space<vmem>>
      %dma_wait3A_645 = tpu.memref_squeeze %dma_wait3A_644 : memref<1x128xi32, #tpu.memory_space<vmem>> -> memref<128xi32, #tpu.memory_space<vmem>>
      %dma_wait3A_646 = arith.constant 0 : i32
      %dma_wait3A_647 = arith.constant 0 : i32
      %dma_wait3A_648 = tpu.memref_slice %arg20[%dma_wait3A_646, %dma_wait3A_647] : memref<102400x8xf32, #tpu.memory_space<vmem_shared>> -> memref<102400x8xf32, #tpu.memory_space<vmem_shared>>
      tpu.wait_indirect_dma semaphore(%arg28 : memref<!tpu.dma_semaphore, #tpu.memory_space<semaphore_mem>>) src(%dma_wait3A_648 : memref<102400x8xf32, #tpu.memory_space<vmem_shared>>) dst(%arg19 : memref<128x8xf32, #tpu.memory_space<vmem>>)
      %dma_start3A_649 = arith.constant 0 : i32
      %dma_start3A_650 = tpu.memref_slice %arg9[%add3A_641, %dma_start3A_649] : memref<208x128xi32, #tpu.memory_space<vmem>> -> memref<1x128xi32, #tpu.memory_space<vmem>>
      %dma_start3A_651 = tpu.memref_squeeze %dma_start3A_650 : memref<1x128xi32, #tpu.memory_space<vmem>> -> memref<128xi32, #tpu.memory_space<vmem>>
      %dma_start3A_652 = arith.constant 0 : i32
      %dma_start3A_653 = arith.constant 0 : i32
      %dma_start3A_654 = tpu.memref_slice %arg20[%dma_start3A_652, %dma_start3A_653] : memref<102400x8xf32, #tpu.memory_space<vmem_shared>> -> memref<102400x8xf32, #tpu.memory_space<vmem_shared>>
      tpu.enqueue_indirect_dma source(%dma_start3A_654 : memref<102400x8xf32, #tpu.memory_space<vmem_shared>>) target(%arg19 : memref<128x8xf32, #tpu.memory_space<vmem>>) offsets(%dma_start3A_651 : memref<128xi32, #tpu.memory_space<vmem>>) semaphore(%arg28 : memref<!tpu.dma_semaphore, #tpu.memory_space<semaphore_mem>>) {add = true}
    }
    %scan3A_452 = arith.constant 24 : i32
    %dma_wait3A_453 = arith.constant 0 : i32
    %dma_wait3A_454 = arith.constant 0 : i32
    %dma_wait3A_455 = tpu.memref_slice %arg9[%dma_wait3A_453, %dma_wait3A_454] : memref<208x128xi32, #tpu.memory_space<vmem>> -> memref<1x128xi32, #tpu.memory_space<vmem>>
    %dma_wait3A_456 = tpu.memref_squeeze %dma_wait3A_455 : memref<1x128xi32, #tpu.memory_space<vmem>> -> memref<128xi32, #tpu.memory_space<vmem>>
    %dma_wait3A_457 = arith.constant 0 : i32
    %dma_wait3A_458 = arith.constant 0 : i32
    %dma_wait3A_459 = tpu.memref_slice %arg20[%dma_wait3A_457, %dma_wait3A_458] : memref<102400x8xf32, #tpu.memory_space<vmem_shared>> -> memref<102400x8xf32, #tpu.memory_space<vmem_shared>>
    tpu.wait_indirect_dma semaphore(%arg21 : memref<!tpu.dma_semaphore, #tpu.memory_space<semaphore_mem>>) src(%dma_wait3A_459 : memref<102400x8xf32, #tpu.memory_space<vmem_shared>>) dst(%arg12 : memref<128x8xf32, #tpu.memory_space<vmem>>)
    %dma_wait3A_460 = arith.constant 1 : i32
    %dma_wait3A_461 = arith.constant 0 : i32
    %dma_wait3A_462 = tpu.memref_slice %arg9[%dma_wait3A_460, %dma_wait3A_461] : memref<208x128xi32, #tpu.memory_space<vmem>> -> memref<1x128xi32, #tpu.memory_space<vmem>>
    %dma_wait3A_463 = tpu.memref_squeeze %dma_wait3A_462 : memref<1x128xi32, #tpu.memory_space<vmem>> -> memref<128xi32, #tpu.memory_space<vmem>>
    %dma_wait3A_464 = arith.constant 0 : i32
    %dma_wait3A_465 = arith.constant 0 : i32
    %dma_wait3A_466 = tpu.memref_slice %arg20[%dma_wait3A_464, %dma_wait3A_465] : memref<102400x8xf32, #tpu.memory_space<vmem_shared>> -> memref<102400x8xf32, #tpu.memory_space<vmem_shared>>
    tpu.wait_indirect_dma semaphore(%arg22 : memref<!tpu.dma_semaphore, #tpu.memory_space<semaphore_mem>>) src(%dma_wait3A_466 : memref<102400x8xf32, #tpu.memory_space<vmem_shared>>) dst(%arg13 : memref<128x8xf32, #tpu.memory_space<vmem>>)
    %dma_wait3A_467 = arith.constant 2 : i32
    %dma_wait3A_468 = arith.constant 0 : i32
    %dma_wait3A_469 = tpu.memref_slice %arg9[%dma_wait3A_467, %dma_wait3A_468] : memref<208x128xi32, #tpu.memory_space<vmem>> -> memref<1x128xi32, #tpu.memory_space<vmem>>
    %dma_wait3A_470 = tpu.memref_squeeze %dma_wait3A_469 : memref<1x128xi32, #tpu.memory_space<vmem>> -> memref<128xi32, #tpu.memory_space<vmem>>
    %dma_wait3A_471 = arith.constant 0 : i32
    %dma_wait3A_472 = arith.constant 0 : i32
    %dma_wait3A_473 = tpu.memref_slice %arg20[%dma_wait3A_471, %dma_wait3A_472] : memref<102400x8xf32, #tpu.memory_space<vmem_shared>> -> memref<102400x8xf32, #tpu.memory_space<vmem_shared>>
    tpu.wait_indirect_dma semaphore(%arg23 : memref<!tpu.dma_semaphore, #tpu.memory_space<semaphore_mem>>) src(%dma_wait3A_473 : memref<102400x8xf32, #tpu.memory_space<vmem_shared>>) dst(%arg14 : memref<128x8xf32, #tpu.memory_space<vmem>>)
    %dma_wait3A_474 = arith.constant 3 : i32
    %dma_wait3A_475 = arith.constant 0 : i32
    %dma_wait3A_476 = tpu.memref_slice %arg9[%dma_wait3A_474, %dma_wait3A_475] : memref<208x128xi32, #tpu.memory_space<vmem>> -> memref<1x128xi32, #tpu.memory_space<vmem>>
    %dma_wait3A_477 = tpu.memref_squeeze %dma_wait3A_476 : memref<1x128xi32, #tpu.memory_space<vmem>> -> memref<128xi32, #tpu.memory_space<vmem>>
    %dma_wait3A_478 = arith.constant 0 : i32
    %dma_wait3A_479 = arith.constant 0 : i32
    %dma_wait3A_480 = tpu.memref_slice %arg20[%dma_wait3A_478, %dma_wait3A_479] : memref<102400x8xf32, #tpu.memory_space<vmem_shared>> -> memref<102400x8xf32, #tpu.memory_space<vmem_shared>>
    tpu.wait_indirect_dma semaphore(%arg24 : memref<!tpu.dma_semaphore, #tpu.memory_space<semaphore_mem>>) src(%dma_wait3A_480 : memref<102400x8xf32, #tpu.memory_space<vmem_shared>>) dst(%arg15 : memref<128x8xf32, #tpu.memory_space<vmem>>)
    %dma_wait3A_481 = arith.constant 4 : i32
    %dma_wait3A_482 = arith.constant 0 : i32
    %dma_wait3A_483 = tpu.memref_slice %arg9[%dma_wait3A_481, %dma_wait3A_482] : memref<208x128xi32, #tpu.memory_space<vmem>> -> memref<1x128xi32, #tpu.memory_space<vmem>>
    %dma_wait3A_484 = tpu.memref_squeeze %dma_wait3A_483 : memref<1x128xi32, #tpu.memory_space<vmem>> -> memref<128xi32, #tpu.memory_space<vmem>>
    %dma_wait3A_485 = arith.constant 0 : i32
    %dma_wait3A_486 = arith.constant 0 : i32
    %dma_wait3A_487 = tpu.memref_slice %arg20[%dma_wait3A_485, %dma_wait3A_486] : memref<102400x8xf32, #tpu.memory_space<vmem_shared>> -> memref<102400x8xf32, #tpu.memory_space<vmem_shared>>
    tpu.wait_indirect_dma semaphore(%arg25 : memref<!tpu.dma_semaphore, #tpu.memory_space<semaphore_mem>>) src(%dma_wait3A_487 : memref<102400x8xf32, #tpu.memory_space<vmem_shared>>) dst(%arg16 : memref<128x8xf32, #tpu.memory_space<vmem>>)
    %dma_wait3A_488 = arith.constant 5 : i32
    %dma_wait3A_489 = arith.constant 0 : i32
    %dma_wait3A_490 = tpu.memref_slice %arg9[%dma_wait3A_488, %dma_wait3A_489] : memref<208x128xi32, #tpu.memory_space<vmem>> -> memref<1x128xi32, #tpu.memory_space<vmem>>
    %dma_wait3A_491 = tpu.memref_squeeze %dma_wait3A_490 : memref<1x128xi32, #tpu.memory_space<vmem>> -> memref<128xi32, #tpu.memory_space<vmem>>
    %dma_wait3A_492 = arith.constant 0 : i32
    %dma_wait3A_493 = arith.constant 0 : i32
    %dma_wait3A_494 = tpu.memref_slice %arg20[%dma_wait3A_492, %dma_wait3A_493] : memref<102400x8xf32, #tpu.memory_space<vmem_shared>> -> memref<102400x8xf32, #tpu.memory_space<vmem_shared>>
    tpu.wait_indirect_dma semaphore(%arg26 : memref<!tpu.dma_semaphore, #tpu.memory_space<semaphore_mem>>) src(%dma_wait3A_494 : memref<102400x8xf32, #tpu.memory_space<vmem_shared>>) dst(%arg17 : memref<128x8xf32, #tpu.memory_space<vmem>>)
    %dma_wait3A_495 = arith.constant 6 : i32
    %dma_wait3A_496 = arith.constant 0 : i32
    %dma_wait3A_497 = tpu.memref_slice %arg9[%dma_wait3A_495, %dma_wait3A_496] : memref<208x128xi32, #tpu.memory_space<vmem>> -> memref<1x128xi32, #tpu.memory_space<vmem>>
    %dma_wait3A_498 = tpu.memref_squeeze %dma_wait3A_497 : memref<1x128xi32, #tpu.memory_space<vmem>> -> memref<128xi32, #tpu.memory_space<vmem>>
    %dma_wait3A_499 = arith.constant 0 : i32
    %dma_wait3A_500 = arith.constant 0 : i32
    %dma_wait3A_501 = tpu.memref_slice %arg20[%dma_wait3A_499, %dma_wait3A_500] : memref<102400x8xf32, #tpu.memory_space<vmem_shared>> -> memref<102400x8xf32, #tpu.memory_space<vmem_shared>>
    tpu.wait_indirect_dma semaphore(%arg27 : memref<!tpu.dma_semaphore, #tpu.memory_space<semaphore_mem>>) src(%dma_wait3A_501 : memref<102400x8xf32, #tpu.memory_space<vmem_shared>>) dst(%arg18 : memref<128x8xf32, #tpu.memory_space<vmem>>)
    %dma_wait3A_502 = arith.constant 7 : i32
    %dma_wait3A_503 = arith.constant 0 : i32
    %dma_wait3A_504 = tpu.memref_slice %arg9[%dma_wait3A_502, %dma_wait3A_503] : memref<208x128xi32, #tpu.memory_space<vmem>> -> memref<1x128xi32, #tpu.memory_space<vmem>>
    %dma_wait3A_505 = tpu.memref_squeeze %dma_wait3A_504 : memref<1x128xi32, #tpu.memory_space<vmem>> -> memref<128xi32, #tpu.memory_space<vmem>>
    %dma_wait3A_506 = arith.constant 0 : i32
    %dma_wait3A_507 = arith.constant 0 : i32
    %dma_wait3A_508 = tpu.memref_slice %arg20[%dma_wait3A_506, %dma_wait3A_507] : memref<102400x8xf32, #tpu.memory_space<vmem_shared>> -> memref<102400x8xf32, #tpu.memory_space<vmem_shared>>
    tpu.wait_indirect_dma semaphore(%arg28 : memref<!tpu.dma_semaphore, #tpu.memory_space<semaphore_mem>>) src(%dma_wait3A_508 : memref<102400x8xf32, #tpu.memory_space<vmem_shared>>) dst(%arg19 : memref<128x8xf32, #tpu.memory_space<vmem>>)
    %scan3A_509 = arith.constant 0 : i32
    %scan3A_510 = arith.constant 64 : i32
    %scan3A_511 = arith.addi %scan3A_509, %scan3A_510 : i32
    %scan3A_512 = arith.constant 1 : i32
    scf.for %scan3A_514 = %scan3A_509 to %scan3A_511 step %scan3A_512  : i32 {
      %mul3A_515 = arith.constant 1 : i32
      %mul3A_516 = arith.muli %scan3A_514, %mul3A_515 : i32
      %add3A_517 = arith.constant 0 : i32
      %add3A_518 = arith.addi %add3A_517, %mul3A_516 : i32
      %iota3A_519 = tpu.iota {dimensions = array<i32: 0>} : vector<16xi32>
      %mul3A_520 = arith.constant 16 : i32
      %mul3A_521 = arith.muli %add3A_518, %mul3A_520 : i32
      %add3A_522 = vector.broadcast %mul3A_521 : i32 to vector<16xi32>
      %add3A_523 = arith.addi %iota3A_519, %add3A_522 : vector<16xi32>
      %shift_right_logical3A = arith.constant 3 : i32
      %shift_right_logical3A_524 = vector.broadcast %shift_right_logical3A : i32 to vector<16xi32>
      %shift_right_logical3A_525 = arith.shrui %add3A_523, %shift_right_logical3A_524 : vector<16xi32>
      %and3A = arith.constant 7 : i32
      %and3A_526 = vector.broadcast %and3A : i32 to vector<16xi32>
      %and3A_527 = arith.andi %add3A_523, %and3A_526 : vector<16xi32>
      %gather3A = tpu.vector_load_idx %arg12[%shift_right_logical3A_525, %and3A_527] : memref<128x8xf32, #tpu.memory_space<vmem>>[vector<16xi32>, vector<16xi32>], vector<16xf32>,
      %gather3A_528 = tpu.vector_load_idx %arg13[%shift_right_logical3A_525, %and3A_527] : memref<128x8xf32, #tpu.memory_space<vmem>>[vector<16xi32>, vector<16xi32>], vector<16xf32>,
      %add3A_529 = arith.addf %gather3A, %gather3A_528 : vector<16xf32>
      %gather3A_530 = tpu.vector_load_idx %arg14[%shift_right_logical3A_525, %and3A_527] : memref<128x8xf32, #tpu.memory_space<vmem>>[vector<16xi32>, vector<16xi32>], vector<16xf32>,
      %add3A_531 = arith.addf %add3A_529, %gather3A_530 : vector<16xf32>
      %gather3A_532 = tpu.vector_load_idx %arg15[%shift_right_logical3A_525, %and3A_527] : memref<128x8xf32, #tpu.memory_space<vmem>>[vector<16xi32>, vector<16xi32>], vector<16xf32>,
      %add3A_533 = arith.addf %add3A_531, %gather3A_532 : vector<16xf32>
      %gather3A_534 = tpu.vector_load_idx %arg16[%shift_right_logical3A_525, %and3A_527] : memref<128x8xf32, #tpu.memory_space<vmem>>[vector<16xi32>, vector<16xi32>], vector<16xf32>,
      %add3A_535 = arith.addf %add3A_533, %gather3A_534 : vector<16xf32>
      %gather3A_536 = tpu.vector_load_idx %arg17[%shift_right_logical3A_525, %and3A_527] : memref<128x8xf32, #tpu.memory_space<vmem>>[vector<16xi32>, vector<16xi32>], vector<16xf32>,
      %add3A_537 = arith.addf %add3A_535, %gather3A_536 : vector<16xf32>
      %gather3A_538 = tpu.vector_load_idx %arg18[%shift_right_logical3A_525, %and3A_527] : memref<128x8xf32, #tpu.memory_space<vmem>>[vector<16xi32>, vector<16xi32>], vector<16xf32>,
      %add3A_539 = arith.addf %add3A_537, %gather3A_538 : vector<16xf32>
      %gather3A_540 = tpu.vector_load_idx %arg19[%shift_right_logical3A_525, %and3A_527] : memref<128x8xf32, #tpu.memory_space<vmem>>[vector<16xi32>, vector<16xi32>], vector<16xf32>,
      %add3A_541 = arith.addf %add3A_539, %gather3A_540 : vector<16xf32>
      tpu.vector_store_idx %arg12[%shift_right_logical3A_525, %and3A_527], %add3A_541 : memref<128x8xf32, #tpu.memory_space<vmem>>[vector<16xi32>, vector<16xi32>], vector<16xf32>,
    }
    %scan3A_513 = arith.constant 64 : i32
    "tpu.region"() ({
      %run_scoped3A = tpu.sem_alloc : memref<!tpu.dma_semaphore, #tpu.memory_space<semaphore_mem>>
      %dma_start3A_514 = arith.constant 0 : i32
      %dma_start3A_515 = tpu.memref_slice %arg7[%mul3A_2, %dma_start3A_514] : memref<4096x8xf32, #tpu.memory_space<hbm>> -> memref<128x8xf32, #tpu.memory_space<hbm>>
      %dma_start3A_516 = arith.constant 0 : i32
      %dma_start3A_517 = tpu.memref_slice %arg7[%mul3A_2, %dma_start3A_516] : memref<4096x8xf32, #tpu.memory_space<hbm>> -> memref<128x8xf32, #tpu.memory_space<hbm>>
      tpu.enqueue_dma source(%arg12 : memref<128x8xf32, #tpu.memory_space<vmem>>) target(%dma_start3A_517 : memref<128x8xf32, #tpu.memory_space<hbm>>) target_semaphore(%run_scoped3A : memref<!tpu.dma_semaphore, #tpu.memory_space<semaphore_mem>>)
      %dma_wait3A_518 = arith.constant 0 : i32
      %dma_wait3A_519 = tpu.memref_slice %arg7[%mul3A_2, %dma_wait3A_518] : memref<4096x8xf32, #tpu.memory_space<hbm>> -> memref<128x8xf32, #tpu.memory_space<hbm>>
      %dma_wait3A_520 = arith.constant 0 : i32
      %dma_wait3A_521 = tpu.memref_slice %arg7[%mul3A_2, %dma_wait3A_520] : memref<4096x8xf32, #tpu.memory_space<hbm>> -> memref<128x8xf32, #tpu.memory_space<hbm>>
      tpu.wait_dma2 semaphore(%run_scoped3A : memref<!tpu.dma_semaphore, #tpu.memory_space<semaphore_mem>>) src(%arg12 : memref<128x8xf32, #tpu.memory_space<vmem>>) dst(%dma_wait3A_521 : memref<128x8xf32, #tpu.memory_space<hbm>>)
      tpu.yield
    }) : () -> ()
    return
  }
}

module attributes {stable_mosaic.version = 14 : i64} {
  func.func @_project_body(%arg0: i32, %arg1: memref<8x64xf32, #tpu.memory_space<vmem>>, %arg2: memref<64x25600xf32, #tpu.memory_space<vmem>>, %arg3: memref<25600xf32, #tpu.memory_space<vmem>>, %arg4: memref<25600xf32, #tpu.memory_space<vmem>>, %arg5: memref<25600xf32, #tpu.memory_space<vmem>>, %arg6: memref<25600xf32, #tpu.memory_space<vmem>>) attributes {dimension_semantics = [#tpu.dimension_semantics<arbitrary>], iteration_bounds = array<i64: 4>, scalar_prefetch = 0 : i64, scratch_operands = 0 : i64, tpu.core_type = #tpu.core_type<tc>, window_params = [{pipeline_mode = #tpu.pipeline_mode<synchronous>, transform_indices = @transform_0, window_bounds = array<i64: 8, 64>}, {transform_indices = @transform_1, window_bounds = array<i64: 64, 25600>}, {transform_indices = @transform_2, window_bounds = array<i64: 25600>}, {transform_indices = @transform_3, window_bounds = array<i64: 25600>}, {transform_indices = @transform_4, window_bounds = array<i64: 25600>}, {transform_indices = @transform_5, window_bounds = array<i64: 25600>}]} {
    %get3A = arith.constant 0 : index
    %get3A_0 = arith.constant 0 : index
    %get3A_1 = vector.load %arg1[%get3A, %get3A_0] : memref<8x64xf32, #tpu.memory_space<vmem>>, vector<8x64xf32>
    %get3A_2 = arith.constant 0 : index
    %get3A_3 = arith.constant 0 : index
    %get3A_4 = vector.load %arg2[%get3A_2, %get3A_3] : memref<64x25600xf32, #tpu.memory_space<vmem>>, vector<64x25600xf32>
    %dot_general3A = arith.constant dense<0.000000e+00> : vector<8x25600xf32>
    %dot_general3A_5 = tpu.matmul %get3A_1, %get3A_4, %dot_general3A {dimension_numbers = #tpu.dot_dimension_numbers<[1], [0], [0], [1], [0, 0, 1, 1], [], []>, transpose_lhs_hint = false} : vector<8x64xf32>, vector<64x25600xf32>, vector<8x25600xf32> -> vector<8x25600xf32>
    %slice3A = vector.extract_strided_slice %dot_general3A_5 {offsets = [0, 0], sizes = [1, 25600], strides = [1, 1]} : vector<8x25600xf32> to vector<1x25600xf32>
    %squeeze3A = vector.shape_cast %slice3A : vector<1x25600xf32> to vector<25600xf32>
    %swap3A = arith.constant 0 : index
    %swap3A_6 = vector.load %arg3[%swap3A] : memref<25600xf32, #tpu.memory_space<vmem>>, vector<25600xf32>
    tpu.vector_store %arg3[%swap3A], %squeeze3A {strides = array<i32>} : memref<25600xf32, #tpu.memory_space<vmem>>, vector<25600xf32>,
    %slice3A_7 = vector.extract_strided_slice %dot_general3A_5 {offsets = [1, 0], sizes = [1, 25600], strides = [1, 1]} : vector<8x25600xf32> to vector<1x25600xf32>
    %squeeze3A_8 = vector.shape_cast %slice3A_7 : vector<1x25600xf32> to vector<25600xf32>
    %swap3A_9 = arith.constant 0 : index
    %swap3A_10 = vector.load %arg4[%swap3A_9] : memref<25600xf32, #tpu.memory_space<vmem>>, vector<25600xf32>
    tpu.vector_store %arg4[%swap3A_9], %squeeze3A_8 {strides = array<i32>} : memref<25600xf32, #tpu.memory_space<vmem>>, vector<25600xf32>,
    %slice3A_11 = vector.extract_strided_slice %dot_general3A_5 {offsets = [2, 0], sizes = [1, 25600], strides = [1, 1]} : vector<8x25600xf32> to vector<1x25600xf32>
    %squeeze3A_12 = vector.shape_cast %slice3A_11 : vector<1x25600xf32> to vector<25600xf32>
    %swap3A_13 = arith.constant 0 : index
    %swap3A_14 = vector.load %arg5[%swap3A_13] : memref<25600xf32, #tpu.memory_space<vmem>>, vector<25600xf32>
    tpu.vector_store %arg5[%swap3A_13], %squeeze3A_12 {strides = array<i32>} : memref<25600xf32, #tpu.memory_space<vmem>>, vector<25600xf32>,
    %slice3A_15 = vector.extract_strided_slice %dot_general3A_5 {offsets = [3, 0], sizes = [1, 25600], strides = [1, 1]} : vector<8x25600xf32> to vector<1x25600xf32>
    %squeeze3A_16 = vector.shape_cast %slice3A_15 : vector<1x25600xf32> to vector<25600xf32>
    %swap3A_17 = arith.constant 0 : index
    %swap3A_18 = vector.load %arg6[%swap3A_17] : memref<25600xf32, #tpu.memory_space<vmem>>, vector<25600xf32>
    tpu.vector_store %arg6[%swap3A_17], %squeeze3A_16 {strides = array<i32>} : memref<25600xf32, #tpu.memory_space<vmem>>, vector<25600xf32>,
    return
  }
  func.func @transform_0(%arg0: i32) -> (i32, i32) {
    %c0_i32 = arith.constant 0 : i32
    %c0_i32_0 = arith.constant 0 : i32
    %c0_i32_1 = arith.constant 0 : i32
    return %c0_i32, %c0_i32_0 : i32, i32
  }
  func.func @transform_1(%arg0: i32) -> (i32, i32) {
    %c0_i32 = arith.constant 0 : i32
    %c0_i32_0 = arith.constant 0 : i32
    return %c0_i32, %arg0 : i32, i32
  }
  func.func @transform_2(%arg0: i32) -> i32 {
    %c0_i32 = arith.constant 0 : i32
    return %arg0 : i32
  }
  func.func @transform_3(%arg0: i32) -> i32 {
    %c0_i32 = arith.constant 0 : i32
    return %arg0 : i32
  }
  func.func @transform_4(%arg0: i32) -> i32 {
    %c0_i32 = arith.constant 0 : i32
    return %arg0 : i32
  }
  func.func @transform_5(%arg0: i32) -> i32 {
    %c0_i32 = arith.constant 0 : i32
    return %arg0 : i32
  }
}

</mosaic_0001>

<sc_bundles>
// kernel: kernel.4.cloned.1.call-start
scs
__scs_entry_jumppad:
0x0: {  	(pc) =	sbr.rel $0x88, $3  }
0x1: {  	(tag) =	ssettag $0x0;
	lr =	simm.s32 $0x1  }
0x2: {  	[smem:$0x3F9D] =	sst lr;
	_ =	strace $0xD0000000  }
0x3: {  	_ = 	snop  }
0x4: {  	_ = 	snop  }
0x5: {  	_ = 	snop  }
0x6: {  	_ = 	snop  }
0x7: {  	_ = 	snop  }
__scs_overlays_trampoline_lowered:
0x8: {  	[smem:$0x3FAC] =	sst s0  }
0x9: {  	[smem:$0x3FAD] =	sst s1  }
0xa: {  	[smem:$0x3FAE] =	sst s2  }
0xb: {  	[smem:$0x3FAF] =	sst s3  }
0xc: {  	[smem:$0x3FB0] =	sst s4  }
0xd: {  	[smem:$0x3FB1] =	sst s5  }
0xe: {  	[smem:$0x3FB2] =	sst s6  }
0xf: {  	[smem:$0x3FB3] =	sst s7  }
0x10: {  	[smem:$0x3FB4] =	sst s8  }
0x11: {  	[smem:$0x3FB5] =	sst s9;
	s0 =	simm.s32 @!p0 $0x0  }
0x12: {  	s1 =	sld [smem:$0x3F9B];
	s0 =	simm.s32 @p0 $0x1  }
0x13: {  	[smem:$0x3FB6] =	sst s0;
	s0 =	simm.s32 @!p1 $0x0  }
0x14: {  	s2 =	sld [smem:$0x3F9A];
	s0 =	simm.s32 @p1 $0x1  }
0x15: {  	[smem:$0x3FB7] =	sst s0;
	s0 =	simm.s32 @!p2 $0x0  }
0x16: {  	s3 =	sld [smem:$0x3FDB];
	s0 =	simm.s32 @p2 $0x1  }
0x17: {  	s4 =	simm.s32 $0x1BF5;
	[smem:$0x3FB9] =	sst s0  }
0x18: {  	s0 =	sld [smem:$0x3F9C];
	_ =	swait.ge [sflag:s4], $0x0  }
0x19: {  	s7 =	sld [smem:$0x3F9D]  }
0x1a: {  	s8 =	sadd.s32 $0xFFFFE003, lr  }
0x1b: {  	s9 =	sadd.s32 $0xFFFFFEF7, lr;
	s5 =	simm.s32 $0xFFFFFFFF;
	p2 =	slt.u32 s8, $0xFFFFF086  }
0x1c: {  	p1 =	slt.u32 s9, $0xF7A;
	s5 =	simm.s32 @!p2 $0x0  }
0x1d: {  	s5 =	simm.s32 @p1 $0x1;
	p0 =	seq.s32 s7, s2  }
0x1e: {  	s7 =	smul.u32 @!p0 $0xF7A, s2;
	p2 =	seq.s32 @!p0 s5, $0x0  }
0x1f: {  	s9 =	smul.u32 $0xF7A, s1;
	s8 =	simm.s32 @!p0 $0x1BF5;
	p2 =	por !p2, p0  }
0x20: {  	[sflag:s8] =	ssyncset.s32 @!p0 $0xFFFFF086;
	s6 =	sadd.s32 @!p0 s3, s7;
	s7 =	simm.s32 @!p0 $0x108  }
0x21: {  	s3 =	sadd.s32 s3, s9;
	s6 =	sadd.s32 @!p0 $0x88, s6;
	s7 =	simm.s32 @p2 $0x1082  }
0x22: {  	[simem:s7], [sflag:s8] =	dma.local @!p0 [hbm:s6], $0xF7A  }
0x23: {  	s9 =	sor.u32 $0xD0000000, s2;
	s6 =	simm.s32 $0x108;
	_ =	swait.ge @!p0 [sflag:s8], $0x0  }
0x24: {  	s3 =	sadd.s32 $0x88, s3;
	s6 =	simm.s32 @!p1 $0x1082;
	[sflag:s4] =	ssyncset.s32 $0xFFFFF086  }
0x25: {  	[simem:s6], [sflag:s4] =	dma.local [hbm:s3], $0xF7A  }
0x26: {  	[smem:$0x3F9D] =	sst s1;
	(tag) =	ssettag s2;
	_ =	strace s9  }
0x27: {  	s1 =	sld [smem:$0x3FAD]  }
0x28: {  	s2 =	sld [smem:$0x3FAE]  }
0x29: {  	s4 =	sld [smem:$0x3FB0]  }
0x2a: {  	p0 =	seq.s32 s5, $0x0;
	s5 =	sld [smem:$0x3FB1]  }
0x2b: {  	s6 =	sld [smem:$0x3FB2]  }
0x2c: {  	s7 =	sld [smem:$0x3FB3]  }
0x2d: {  	s3 =	simm.s32 $0x108;
	s8 =	sld [smem:$0x3FB4]  }
0x2e: {  	s3 =	simm.s32 @!p0 $0x1082;
	s9 =	sld [smem:$0x3FB5]  }
0x2f: {  	lr =	sadd.s32 s0, s3;
	s0 =	sld [smem:$0x3FAC]  }
0x30: {  	s3 =	sld [smem:$0x3FAF]  }
0x31: {  	[smem:$0x3FB8] =	sst s10  }
0x32: {  	s10 =	sld [smem:$0x3FB6];
	_ =	sdelay $0x3  }
0x33: {  	p0 =	seq.s32 s10, $0x1;
	s10 =	sld [smem:$0x3FB8];
	_ =	sdelay $0x3  }
0x34: {  	[smem:$0x3FB8] =	sst s10  }
0x35: {  	s10 =	sld [smem:$0x3FB7];
	_ =	sdelay $0x3  }
0x36: {  	p1 =	seq.s32 s10, $0x1;
	s10 =	sld [smem:$0x3FB8];
	_ =	sdelay $0x3  }
0x37: {  	[smem:$0x3FB8] =	sst s10  }
0x38: {  	s10 =	sld [smem:$0x3FB9]  }
0x39: {  	_ = 	snop;
	(pc) =	sbr.ind lr, $3  }
0x3a: {  	_ = 	snop  }
0x3b: {  	_ = 	snop  }
0x3c: {  	p2 =	seq.s32 s10, $0x1;
	s10 =	sld [smem:$0x3FB8]  }
0x3d: {  	_ =	shalt  }
0x3e: {  	_ =	shalt  }
0x3f: {  	_ =	shalt  }
0x40: {  	_ =	shalt  }
0x41: {  	_ =	shalt  }
0x42: {  	_ =	shalt  }
0x43: {  	_ =	shalt  }
0x44: {  	_ =	shalt  }
0x45: {  	_ =	shalt  }
0x46: {  	_ =	shalt  }
0x47: {  	_ =	shalt  }
0x48: {  	_ =	shalt  }
0x49: {  	_ =	shalt  }
0x4a: {  	_ =	shalt  }
0x4b: {  	_ =	shalt  }
0x4c: {  	_ =	shalt  }
0x4d: {  	_ =	shalt  }
0x4e: {  	_ =	shalt  }
0x4f: {  	_ =	shalt  }
0x50: {  	_ =	shalt  }
0x51: {  	_ =	shalt  }
0x52: {  	_ =	shalt  }
0x53: {  	_ =	shalt  }
0x54: {  	_ =	shalt  }
0x55: {  	_ =	shalt  }
0x56: {  	_ =	shalt  }
0x57: {  	_ =	shalt  }
0x58: {  	_ =	shalt  }
0x59: {  	_ =	shalt  }
0x5a: {  	_ =	shalt  }
0x5b: {  	_ =	shalt  }
0x5c: {  	_ =	shalt  }
0x5d: {  	_ =	shalt  }
0x5e: {  	_ =	shalt  }
0x5f: {  	_ =	shalt  }
0x60: {  	_ =	shalt  }
0x61: {  	_ =	shalt  }
0x62: {  	_ =	shalt  }
0x63: {  	_ =	shalt  }
0x64: {  	_ =	shalt  }
0x65: {  	_ =	shalt  }
0x66: {  	_ =	shalt  }
0x67: {  	_ =	shalt  }
0x68: {  	_ =	shalt  }
0x69: {  	_ =	shalt  }
0x6a: {  	_ =	shalt  }
0x6b: {  	_ =	shalt  }
0x6c: {  	_ =	shalt  }
0x6d: {  	_ =	shalt  }
0x6e: {  	_ =	shalt  }
0x6f: {  	_ =	shalt  }
0x70: {  	_ =	shalt  }
0x71: {  	_ =	shalt  }
0x72: {  	_ =	shalt  }
0x73: {  	_ =	shalt  }
0x74: {  	_ =	shalt  }
0x75: {  	_ =	shalt  }
0x76: {  	_ =	shalt  }
0x77: {  	_ =	shalt  }
0x78: {  	_ =	shalt  }
0x79: {  	_ =	shalt  }
0x7a: {  	_ =	shalt  }
0x7b: {  	_ =	shalt  }
0x7c: {  	_ =	shalt  }
0x7d: {  	_ =	shalt  }
0x7e: {  	_ =	shalt  }
0x7f: {  	_ =	shalt  }
0x80: {  	_ =	shalt  }
0x81: {  	_ =	shalt  }
0x82: {  	_ =	shalt  }
0x83: {  	_ =	shalt  }
0x84: {  	_ =	shalt  }
0x85: {  	_ =	shalt  }
0x86: {  	_ =	shalt  }
0x87: {  	_ =	shalt  }
.Lfunc_end0:
.L_simem_size_0:
called_computation_lowered:
.L_overlay_start_0:
0x88: {  	s2 =	sld [smem:$0x3FD9]  }
0x89: {  	s3 =	sld [smem:$0x3FFE];
	_ =	sdelay $0x1  }
0x8a: {  	s1 =	srdreg.scid  }
0x8b: {  	s0 =	sand.u32 $0x1, s1  }
0x8c: {  	s16 =	sshll.u32 s0, $0xA;
	s2 =	sadd.s32 s3, s2  }
0x8d: {  	s2 =	sadd.s32 s2, s16  }
0x8e: {  	[smem:$0x3FC4] =	sst s2  }
0x8f: {  	_ = 	snop  }
0x90: {  	(tm) =	ssettm $0x1  }
0x91: {  	s17 =	sld [smem:$0x3FFB];
	_ =	sdelay $0x3  }
0x92: {  	_ =	strace s17  }
0x93: {  	s2 =	sld [smem:$0x3FFC];
	_ =	sdelay $0x3  }
0x94: {  	_ =	strace s2  }
0x95: {  	s2 =	sld [smem:$0x3FFD];
	_ =	sdelay $0x3  }
0x96: {  	_ =	strace s2  }
0x97: {  	_ =	strace $0x8FFFFFFF  }
0x98: {  	s18 =	sld [smem:$0x3FDB];
	_ =	sdelay $0x1  }
0x99: {  	s19 =	simm.s32 $_scs_section_size  }
0x9a: {  	s4 =	simm.s32 $_size__tile_overlayer_lowered;
	s5 =	simm.s32 $_tile_overlayer_lowered  }
0x9b: {  	s22 =	simm.s32 $0x1BFF;
	s21 =	sshll.u32 s5, $0x1;
	s2 =	sadd.s32 s19, s18  }
0x9c: {  	s6 =	simm.s32 $0x0;
	s20 =	sshll.u32 s4, $0x1;
	s4 =	sadd.s32 s21, s2  }
0x9d: {  	[timem:s6], [sflag:s22] =	dma.local [hbm:s4], s20  }
0x9e: {  	_ =	swait.ge [sflag:s22], s20  }
0x9f: {  	s3 =	ssub.s32 $0x0, s20;
	[sflag:s22] =	ssyncset.done $0x0  }
0xa0: {  	[sflag:s22] =	ssyncadd.s32 s3;
	_ =	sdelay $0x1  }
0xa1: {  	s23 =	simm.s32 $0x1B8B  }
0xa2: {  	_ =	swait.ge [sflag:s23], $0x1  }
0xa3: {  	[sflag:s23] =	ssyncset.done $0x0  }
0xa4: {  	s25 =	simm.s32 $0x1B8E;
	s24 =	sld [smem:$0x3FFE];
	[sflag:s23] =	ssyncadd.s32 $0xFFFFFFFF  }
0xa5: {  	s26 =	simm.s32 $execute0_lowered;
	[smem:$0x3FD2] =	sst s25  }
0xa6: {  	s4 =	sshll.u32 s26, $0x1;
	_ =	strace $0x80000046;
	[dreg:$0x1] =	wrdreg $0xFFFFFFFF  }
0xa7: {  	s28 =	simm.s32 $_size_execute0_lowered;
	s2 =	sadd.s32 s2, s4;
	[dreg:$0x0] =	wrdreg $0x0  }
0xa8: {  	s4 =	sshll.u32 s28, $0x1;
	[dreg:$0x2] =	wrdreg s2  }
0xa9: {  	[dreg:$0x3] =	wrdreg s4  }
0xaa: {  	[dreg:$0x4] =	wrdreg $0xC0  }
0xab: {  	_ =	task [dreg:s6], $0x5FFFF  }
0xac: {  	[dreg:$0x1] =	wrdreg $0xFFFFFFFF  }
0xad: {  	[dreg:$0x0] =	wrdreg $0x60  }
0xae: {  	[dreg:$0x2] =	wrdreg s24  }
0xaf: {  	[dreg:$0x3] =	wrdreg $0x11ED00  }
0xb0: {  	[dreg:$0x4] =	wrdreg $0x9  }
0xb1: {  	_ =	task.clear_ibuf [dreg:s6], $0x5FFFF;
	_ =	strace $0x90000046  }
0xb2: {  	s29 =	simm.s32 $0x9;
	_ =	strace $0x80000048  }
0xb3: {  	_ =	swait.ge [sflag:s29], $0x1  }
0xb4: {  	[sflag:s29] =	ssyncadd.s32 $0xFFFFFFFF  }
0xb5: {  	_ =	strace $0x90000048  }
0xb6: {  	_ =	sfence  }
0xb7: {  	s30 =	sld [smem:$0x0];
	_ =	sdelay $0x2  }
0xb8: {  	s31 =	sshll.u32 s1, $0xD;
	s1 =	sshrl.u32 s1, $0x2  }
0xb9: {  	s3 =	sand.u32 $0x4000, s31;
	s1 =	sadd.s32 s1, s30  }
0xba: {  	s0 =	sor.u32 s3, s0;
	s1 =	sshll.u32 s1, $0x11  }
0xbb: {  	s0 =	sor.u32 s1, s0  }
0xbc: {  	s0 =	sadd.s32 $0x8F2B, s0  }
0xbd: {  	[sflag:s0] =	ssyncadd.remote.s32 $0x1  }
0xbe: {  	_ =	sfence.sel $0xFFFF  }
0xbf: {  	[dreg:$0x0] =	wrdreg $0xFFFFFFFF;
	(pc) =	sbr.abs _section_cstart, $3  }
0xc0: {  	[dreg:$0x1] =	wrdreg $0xFFFFFFFF  }
0xc1: {  	_ =	task.clear_ibuf [dreg:s6], $0x2FFFF;
	_ =	strace $0x9FFFFFFF  }
0xc2: {  	(tm) =	ssettm $0x7FFFFFFF  }
0xc3: {  	_ =	shalt  }
tec
execute0_lowered:
.L_overlay_start_1:
0x0: {  	(tag) =	ssettag $0x1  }
0x1: {  	s0 =	rddreg [dreg:$0x0]  }
0x2: {  	s1 =	rddreg [dreg:$0x1]  }
0x3: {  	s2 =	simm.s32 $0x0;
	s5 =	srdreg.scid;
	s12 =	stileid.u32  }
0x4: {  	s13 =	simm.s32 $0x68D0;
	s14 =	simm.s32 $0x7550;
	s28 =	simm.s32 $0xFED0  }
0x5: {  	s30 =	simm.s32 $0x102D0;
	s29 =	simm.s32 $0x10AD0;
	s31 =	simm.s32 $0x112D0  }
0x6: {  	[smem:$0x7FF] =	sst s2;
	s3 =	sadd.s32 $0x1A000, s0;
	s4 =	sadd.s32 $0x1D200, s0  }
0x7: {  	v0 =	vlaneseq.u32;
	s6 =	sadd.s32 $0x20400, s0;
	s5 =	sand.u32 $0x1, s5;
	s7 =	sshll.u32 s12, $0x1  }
0x8: {  	s9 =	sadd.s32 $0x23600, s0;
	s15 =	smul.u32 $0x1900, s12;
	s10 =	sadd.s32 $0x1000, s0;
	v12 =	vmul.u32 $0x20, v0  }
0x9: {  	s19 =	smul.u32 $0x32000, s12;
	s12 =	simm.s32 $0xD0;
	s8 =	sor.u32 s5, s7  }
0xa: {  	_ =	strace $0x80000047;
	[dreg:$0x3] =	wrdreg s10;
	s5 =	ssub.s32 $0x2, s5;
	v1 =	vor.u32 s8, v12  }
0xb: {  	s16 =	sshll.u32 s8, $0x7;
	s17 =	sshrl.u32 s5, $0x1;
	s11 =	sshrl.u32 s15, $0x3;
	v2 =	vor.u32 $0x200, v12;
	v3 =	vor.u32 $0x400, v12;
	v4 =	vor.u32 $0x600, v12  }
0xc: {  	s7 =	sadd.s32 $0xC80, s15;
	s10 =	sshrl.u32 s19, $0x2;
	v5 =	vor.u32 $0x800, v12;
	v6 =	vor.u32 $0xA00, v12;
	v7 =	vor.u32 $0xC00, v12;
	s19 =	simm.s32 $0x6  }
0xd: {  	v8 =	vor.u32 $0xE00, v12;
	v9 =	vor.u32 $0x1000, v12;
	v10 =	vor.u32 $0x1200, v12;
	s0 =	sadd.s32 s16, s0;
	s5 =	ssub.s32 s5, s17;
	s18 =	sadd.s32 s3, s11  }
0xe: {  	v11 =	vor.u32 $0x1400, v12;
	v13 =	vor.u32 $0x1800, v12;
	v12 =	vor.u32 $0x1600, v12;
	s20 =	sadd.s32 s4, s11;
	s21 =	sadd.s32 s6, s11;
	[dreg:$0x4] =	wrdreg s18  }
0xf: {  	s11 =	sadd.s32 s9, s11;
	s22 =	sshrl.u32 s7, $0x3;
	v2 =	vor.u32 s8, v2;
	v3 =	vor.u32 s8, v3;
	v4 =	vor.u32 s8, v4;
	[dreg:$0x5] =	wrdreg s20  }
0x10: {  	s10 =	sadd.s32 s10, s1;
	s26 =	sshll.u32 s7, $0x3;
	v5 =	vor.u32 s8, v5;
	v6 =	vor.u32 s8, v6;
	v7 =	vor.u32 s8, v7;
	[dreg:$0x6] =	wrdreg s21  }
0x11: {  	v8 =	vor.u32 s8, v8;
	v9 =	vor.u32 s8, v9;
	v10 =	vor.u32 s8, v10;
	s17 =	simm.s32 $0x3;
	s7 =	simm.s32 $0x4;
	[dreg:$0x7] =	wrdreg s11  }
0x12: {  	v11 =	vor.u32 s8, v11;
	v13 =	vor.u32 s8, v13;
	v12 =	vor.u32 s8, v12;
	s8 =	simm.s32 $0x7;
	[dreg:$0x8] =	wrdreg s10;
	s3 =	sadd.s32 s3, s22  }
0x13: {  	s23 =	sadd.s32 s4, s22;
	s24 =	sadd.s32 s6, s22;
	s25 =	sadd.s32 s9, s22  }
0x14: {  	s15 =	sadd.s32 $0x26800, s0;
	s16 =	smax.u32 s5, $0x1;
	s22 =	simm.s32 $0x9  }
0x15: {  	s0 =	simm.s32 $0x106D0;
	s4 =	simm.s32 $0x116D0;
	[dreg:$0x9] =	wrdreg s3  }
0x16: {  	s5 =	simm.s32 $0x11AD0;
	s6 =	simm.s32 $0x2;
	[dreg:$0xa] =	wrdreg s23  }
0x17: {  	s18 =	simm.s32 $0x5;
	s20 =	simm.s32 $0x8;
	[dreg:$0xb] =	wrdreg s24  }
0x18: {  	s21 =	simm.s32 $0x0;
	[dreg:$0xc] =	wrdreg s25;
	s3 =	sadd.s32 s26, s1  }
0x19: {  	s23 =	simm.s32 $0x9AD0;
	s24 =	simm.s32 $0xA;
	s25 =	simm.s32 $0x1  }
0x1a: {  	v14 =	vmul.u32 $0x8, v0;
	v13 =	vmin.u32 v13, $0x18FF;
	s26 =	simm.s32 $0x80;
	[dreg:$0xd] =	wrdreg s3;
	s3 =	simm.s32 $0x10ED0  }
.LBB2_1:
0x1b: {  	[tilespmem:$0x0] =	vst v1  }
0x1c: {  	[tilespmem:$0x10] =	vst v2  }
0x1d: {  	[tilespmem:$0x20] =	vst v3  }
0x1e: {  	[tilespmem:$0x30] =	vst v4  }
0x1f: {  	[tilespmem:$0x40] =	vst v5  }
0x20: {  	[tilespmem:$0x50] =	vst v6  }
0x21: {  	[tilespmem:$0x60] =	vst v7  }
0x22: {  	[tilespmem:$0x70] =	vst v8  }
0x23: {  	[tilespmem:$0x80] =	vst v9  }
0x24: {  	[tilespmem:$0x90] =	vst v10  }
0x25: {  	[tilespmem:$0xA0] =	vst v11  }
0x26: {  	[tilespmem:$0xB0] =	vst v12  }
0x27: {  	[tilespmem:$0xC0] =	vst v13;
	s9 =	rddreg [dreg:$0x3]  }
0x28: {  	[tilespmem:s12], [sflag:$0x1] =	stream.indirect.gather [hbm4b:s9+s12], $0x80, s2, s12, $0xb8;
	[tilespmem:$0x1E6D0] =	vst v63  }
0x29: {  	s12 =	rddreg [dreg:$0x4]  }
0x2a: {  	[tilespmem:s13], [sflag:$0x9] =	stream.linear.gather [hbm4b:s12+s2], $0xC80, $0x38;
	[tilespmem:$0x1E6D0] =	vst v63  }
0x2b: {  	s13 =	rddreg [dreg:$0x5]  }
0x2c: {  	[tilespmem:s14], [sflag:$0x9] =	stream.linear.gather [hbm4b:s13+s2], $0xC80, $0x38;
	[tilespmem:$0x1E6D0] =	vst v63  }
0x2d: {  	s10 =	simm.s32 $0x81D0;
	s14 =	rddreg [dreg:$0x6]  }
0x2e: {  	[tilespmem:s10], [sflag:$0x9] =	stream.linear.gather [hbm4b:s14+s2], $0xC80, $0x38;
	[tilespmem:$0x1E6D0] =	vst v63  }
0x2f: {  	s11 =	simm.s32 $0x8E50;
	s10 =	rddreg [dreg:$0x7]  }
0x30: {  	[tilespmem:s11], [sflag:$0x9] =	stream.linear.gather [hbm4b:s10+s2], $0xC80, $0x38;
	[tilespmem:$0x1E6D0] =	vst v63  }
0x31: {  	_ =	swait.ge [sflag:s22], $0xC80  }
0x32: {  	[sflag:s22] =	ssyncset.done $0x0  }
0x33: {  	[sflag:s22] =	ssyncadd.s32 $0xFFFFF380  }
0x34: {  	_ =	swait.ge [sflag:s22], $0xC80  }
0x35: {  	[sflag:s22] =	ssyncset.done $0x0  }
0x36: {  	[sflag:s22] =	ssyncadd.s32 $0xFFFFF380  }
0x37: {  	_ =	swait.ge [sflag:s22], $0xC80  }
0x38: {  	[sflag:s22] =	ssyncset.done $0x0  }
0x39: {  	[sflag:s22] =	ssyncadd.s32 $0xFFFFF380  }
0x3a: {  	_ =	swait.ge [sflag:s22], $0xC80  }
0x3b: {  	v15 =	vmov s2;
	[sflag:s22] =	ssyncset.done $0x0  }
0x3c: {  	v15 =	vshll.u32 v15, $0x3;
	s10 =	simm.s32 $0x68F0;
	[sflag:s22] =	ssyncadd.s32 $0xFFFFF380  }
0x3d: {  	v15 =	vor.u32 v14, v15;
	v16 =	vld [tilespmem:s10+$0xFFFFFFE0];
	_ =	sdelay $0x2  }
0x3e: {  	s12 =	simm.s32 $0x10  }
0x3f: {  	v17 =	vmov s12  }
0x40: {  	[tilespmem:v15+s23+$0x0] =	vst.idx.msk $0xffff, v16;
	v15 =	vshll.u32 v17, $0x3  }
0x41: {  	v16 =	vld [tilespmem:s10+$0xFFFFFFF0];
	v15 =	vor.u32 v14, v15;
	_ =	sdelay $0x2  }
0x42: {  	s13 =	simm.s32 $0x20  }
0x43: {  	v17 =	vmov s13  }
0x44: {  	[tilespmem:v15+s23+$0x0] =	vst.idx.msk $0xffff, v16;
	v15 =	vshll.u32 v17, $0x3  }
0x45: {  	v16 =	vld [tilespmem:s10+$0x0];
	v15 =	vor.u32 v14, v15;
	_ =	sdelay $0x2  }
0x46: {  	s14 =	simm.s32 $0x30  }
0x47: {  	v17 =	vmov s14  }
0x48: {  	[tilespmem:v15+s23+$0x0] =	vst.idx.msk $0xffff, v16;
	v16 =	vshll.u32 v17, $0x3  }
0x49: {  	v15 =	vld [tilespmem:s10+$0x10];
	v16 =	vor.u32 v14, v16;
	_ =	sdelay $0x2  }
0x4a: {  	s12 =	simm.s32 $0x0;
	s13 =	simm.s32 $0x40  }
.LBB2_2:
0x4b: {  	v17 =	vmov s13;
	s12 =	sadd.s32 $0x4, s12;
	s9 =	simm.s32 $0x7580  }
0x4c: {  	s10 =	sadd.s32 $0x40, s10;
	s11 =	simm.s32 $0x30;
	v17 =	vshll.u32 v17, $0x3;
	p0 =	slt.u32 s12, $0xC4;
	[tilespmem:v16+s23+$0x0] =	vst.idx.msk $0xffff, v15  }
0x4d: {  	v15 =	vld [tilespmem:s10+$0xFFFFFFE0];
	v16 =	vor.u32 v14, v17;
	_ =	sdelay $0x2  }
0x4e: {  	s14 =	sadd.s32 $0x10, s13  }
0x4f: {  	v17 =	vmov s14  }
0x50: {  	[tilespmem:v16+s23+$0x0] =	vst.idx.msk $0xffff, v15;
	v15 =	vshll.u32 v17, $0x3  }
0x51: {  	v16 =	vld [tilespmem:s10+$0xFFFFFFF0];
	v15 =	vor.u32 v14, v15;
	_ =	sdelay $0x2  }
0x52: {  	s14 =	sadd.s32 $0x20, s13  }
0x53: {  	v17 =	vmov s14  }
0x54: {  	[tilespmem:v15+s23+$0x0] =	vst.idx.msk $0xffff, v16;
	v15 =	vshll.u32 v17, $0x3  }
0x55: {  	v16 =	vld [tilespmem:s10+$0x0];
	v15 =	vor.u32 v14, v15;
	_ =	sdelay $0x2  }
0x56: {  	s14 =	sadd.s32 $0x30, s13  }
0x57: {  	v17 =	vmov s14  }
.Ltmp0:
0x58: {  	[tilespmem:v15+s23+$0x0] =	vst.idx.msk $0xffff, v16;
	v16 =	vshll.u32 v17, $0x3;
	(pc) =	sbr.rel @p0 .LBB2_2-.Ltmp0, $2  }
0x59: {  	v15 =	vld [tilespmem:s10+$0x10];
	v16 =	vor.u32 v14, v16;
	_ =	sdelay $0x2  }
0x5a: {  	s13 =	sadd.s32 $0x40, s13  }
0x5b: {  	_ = 	snop  }
0x5c: {  	s10 =	simm.s32 $0x0  }
0x5d: {  	v17 =	vmov s10  }
0x5e: {  	v17 =	vshll.u32 v17, $0x3  }
0x5f: {  	[tilespmem:v16+s23+$0x0] =	vst.idx.msk $0xffff, v15;
	v15 =	vor.u32 v14, v17  }
0x60: {  	v16 =	vld [tilespmem:s9+$0xFFFFFFD0];
	v17 =	vor.u32 $0x1, v15;
	_ =	sdelay $0x1  }
0x61: {  	s13 =	simm.s32 $0x10  }
0x62: {  	v18 =	vmov s13  }
0x63: {  	v18 =	vshll.u32 v18, $0x3  }
0x64: {  	[tilespmem:v17+s23+$0x0] =	vst.idx.msk $0xffff, v16;
	v16 =	vor.u32 v14, v18  }
0x65: {  	v17 =	vld [tilespmem:s9+$0xFFFFFFE0];
	v18 =	vor.u32 $0x1, v16;
	_ =	sdelay $0x1  }
0x66: {  	s14 =	simm.s32 $0x20  }
0x67: {  	v19 =	vmov s14  }
0x68: {  	v19 =	vshll.u32 v19, $0x3  }
0x69: {  	[tilespmem:v18+s23+$0x0] =	vst.idx.msk $0xffff, v17;
	v17 =	vor.u32 v14, v19  }
0x6a: {  	v18 =	vld [tilespmem:s9+$0xFFFFFFF0];
	v19 =	vor.u32 $0x1, v17;
	_ =	sdelay $0x2  }
0x6b: {  	v20 =	vmov s11  }
0x6c: {  	v20 =	vshll.u32 v20, $0x3  }
0x6d: {  	[tilespmem:v19+s23+$0x0] =	vst.idx.msk $0xffff, v18;
	v18 =	vor.u32 v14, v20  }
0x6e: {  	v19 =	vld [tilespmem:s9+$0x0];
	v20 =	vor.u32 $0x1, v18  }
0x6f: {  	s11 =	simm.s32 $0x0;
	s12 =	simm.s32 $0x70  }
.LBB2_4:
0x70: {  	s10 =	sadd.s32 $0xFFFFFFD0, s12;
	s11 =	sadd.s32 $0x4, s11  }
0x71: {  	v21 =	vmov s10;
	p0 =	slt.u32 s11, $0xC4  }
0x72: {  	v21 =	vshll.u32 v21, $0x3  }
0x73: {  	s9 =	sadd.s32 $0x40, s9;
	s10 =	simm.s32 $0x8200;
	v21 =	vor.u32 v14, v21;
	[tilespmem:v20+s23+$0x0] =	vst.idx.msk $0xffff, v19  }
0x74: {  	v19 =	vld [tilespmem:s9+$0xFFFFFFD0];
	v20 =	vor.u32 $0x1, v21;
	_ =	sdelay $0x1  }
0x75: {  	s13 =	sadd.s32 $0xFFFFFFE0, s12  }
0x76: {  	v21 =	vmov s13  }
0x77: {  	v21 =	vshll.u32 v21, $0x3  }
0x78: {  	[tilespmem:v20+s23+$0x0] =	vst.idx.msk $0xffff, v19;
	v19 =	vor.u32 v14, v21  }
0x79: {  	v20 =	vld [tilespmem:s9+$0xFFFFFFE0];
	v19 =	vor.u32 $0x1, v19;
	_ =	sdelay $0x1  }
0x7a: {  	s13 =	sadd.s32 $0xFFFFFFF0, s12  }
0x7b: {  	v21 =	vmov s13  }
0x7c: {  	v21 =	vshll.u32 v21, $0x3  }
0x7d: {  	[tilespmem:v19+s23+$0x0] =	vst.idx.msk $0xffff, v20;
	v19 =	vor.u32 v14, v21  }
0x7e: {  	v20 =	vld [tilespmem:s9+$0xFFFFFFF0];
	v19 =	vor.u32 $0x1, v19;
	_ =	sdelay $0x2  }
.Ltmp1:
0x7f: {  	v21 =	vmov s12;
	(pc) =	sbr.rel @p0 .LBB2_4-.Ltmp1, $4  }
0x80: {  	v21 =	vshll.u32 v21, $0x3  }
0x81: {  	[tilespmem:v19+s23+$0x0] =	vst.idx.msk $0xffff, v20;
	v20 =	vor.u32 v14, v21  }
0x82: {  	v19 =	vld [tilespmem:s9+$0x0];
	v20 =	vor.u32 $0x1, v20  }
0x83: {  	s12 =	sadd.s32 $0x40, s12  }
0x84: {  	_ =	sdelay $0x3  }
0x85: {  	[tilespmem:v20+s23+$0x0] =	vst.idx.msk $0xffff, v19  }
0x86: {  	v15 =	vor.u32 $0x2, v15;
	v19 =	vld [tilespmem:s10+$0xFFFFFFD0];
	_ =	sdelay $0x4  }
0x87: {  	[tilespmem:v15+s23+$0x0] =	vst.idx.msk $0xffff, v19  }
0x88: {  	v16 =	vor.u32 $0x2, v16;
	v15 =	vld [tilespmem:s10+$0xFFFFFFE0];
	_ =	sdelay $0x4  }
0x89: {  	[tilespmem:v16+s23+$0x0] =	vst.idx.msk $0xffff, v15  }
0x8a: {  	v16 =	vor.u32 $0x2, v17;
	v15 =	vld [tilespmem:s10+$0xFFFFFFF0];
	_ =	sdelay $0x4  }
0x8b: {  	[tilespmem:v16+s23+$0x0] =	vst.idx.msk $0xffff, v15  }
0x8c: {  	v16 =	vor.u32 $0x2, v18;
	v15 =	vld [tilespmem:s10+$0x0]  }
0x8d: {  	s11 =	simm.s32 $0x0;
	s12 =	simm.s32 $0x70  }
.LBB2_6:
0x8e: {  	s9 =	sadd.s32 $0xFFFFFFD0, s12;
	s11 =	sadd.s32 $0x4, s11  }
0x8f: {  	v17 =	vmov s9;
	p0 =	slt.u32 s11, $0xC4  }
0x90: {  	v17 =	vshll.u32 v17, $0x3  }
0x91: {  	s10 =	sadd.s32 $0x40, s10;
	s9 =	simm.s32 $0x8E80;
	v17 =	vor.u32 v14, v17;
	[tilespmem:v16+s23+$0x0] =	vst.idx.msk $0xffff, v15  }
0x92: {  	v15 =	vld [tilespmem:s10+$0xFFFFFFD0];
	v16 =	vor.u32 $0x2, v17;
	_ =	sdelay $0x1  }
0x93: {  	s13 =	sadd.s32 $0xFFFFFFE0, s12  }
0x94: {  	v17 =	vmov s13  }
0x95: {  	v17 =	vshll.u32 v17, $0x3  }
0x96: {  	[tilespmem:v16+s23+$0x0] =	vst.idx.msk $0xffff, v15;
	v15 =	vor.u32 v14, v17  }
0x97: {  	v16 =	vld [tilespmem:s10+$0xFFFFFFE0];
	v15 =	vor.u32 $0x2, v15;
	_ =	sdelay $0x1  }
0x98: {  	s13 =	sadd.s32 $0xFFFFFFF0, s12  }
0x99: {  	v17 =	vmov s13  }
0x9a: {  	v17 =	vshll.u32 v17, $0x3  }
0x9b: {  	[tilespmem:v15+s23+$0x0] =	vst.idx.msk $0xffff, v16;
	v15 =	vor.u32 v14, v17  }
0x9c: {  	v16 =	vld [tilespmem:s10+$0xFFFFFFF0];
	v15 =	vor.u32 $0x2, v15;
	_ =	sdelay $0x2  }
.Ltmp2:
0x9d: {  	v17 =	vmov s12;
	(pc) =	sbr.rel @p0 .LBB2_6-.Ltmp2, $4  }
0x9e: {  	v17 =	vshll.u32 v17, $0x3  }
0x9f: {  	[tilespmem:v15+s23+$0x0] =	vst.idx.msk $0xffff, v16;
	v16 =	vor.u32 v14, v17  }
0xa0: {  	v15 =	vld [tilespmem:s10+$0x0];
	v16 =	vor.u32 $0x2, v16  }
0xa1: {  	s12 =	sadd.s32 $0x40, s12  }
0xa2: {  	_ = 	snop  }
0xa3: {  	s10 =	simm.s32 $0x0  }
0xa4: {  	v17 =	vmov s10  }
0xa5: {  	v17 =	vshll.u32 v17, $0x3  }
0xa6: {  	[tilespmem:v16+s23+$0x0] =	vst.idx.msk $0xffff, v15;
	v15 =	vor.u32 v14, v17  }
0xa7: {  	v16 =	vld [tilespmem:s9+$0xFFFFFFD0];
	v15 =	vor.u32 $0x3, v15;
	_ =	sdelay $0x1  }
0xa8: {  	s12 =	simm.s32 $0x10  }
0xa9: {  	v17 =	vmov s12  }
0xaa: {  	v17 =	vshll.u32 v17, $0x3  }
0xab: {  	[tilespmem:v15+s23+$0x0] =	vst.idx.msk $0xffff, v16;
	v15 =	vor.u32 v14, v17  }
0xac: {  	v16 =	vld [tilespmem:s9+$0xFFFFFFE0];
	v15 =	vor.u32 $0x3, v15;
	_ =	sdelay $0x1  }
0xad: {  	s13 =	simm.s32 $0x20  }
0xae: {  	v17 =	vmov s13  }
0xaf: {  	v17 =	vshll.u32 v17, $0x3  }
0xb0: {  	[tilespmem:v15+s23+$0x0] =	vst.idx.msk $0xffff, v16;
	v15 =	vor.u32 v14, v17  }
0xb1: {  	v16 =	vld [tilespmem:s9+$0xFFFFFFF0];
	v15 =	vor.u32 $0x3, v15;
	_ =	sdelay $0x1  }
0xb2: {  	s14 =	simm.s32 $0x30  }
0xb3: {  	v17 =	vmov s14  }
0xb4: {  	v17 =	vshll.u32 v17, $0x3  }
0xb5: {  	[tilespmem:v15+s23+$0x0] =	vst.idx.msk $0xffff, v16;
	v16 =	vor.u32 v14, v17  }
0xb6: {  	v15 =	vld [tilespmem:s9+$0x0];
	v16 =	vor.u32 $0x3, v16  }
0xb7: {  	s11 =	simm.s32 $0x70;
	s10 =	simm.s32 $0x0;
	s14 =	simm.s32 $0x7550  }
.LBB2_8:
0xb8: {  	s12 =	sadd.s32 $0xFFFFFFD0, s11;
	s10 =	sadd.s32 $0x4, s10  }
0xb9: {  	v17 =	vmov s12;
	p0 =	slt.u32 s10, $0xC4  }
0xba: {  	v17 =	vshll.u32 v17, $0x3  }
0xbb: {  	s9 =	sadd.s32 $0x40, s9;
	v17 =	vor.u32 v14, v17;
	[tilespmem:v16+s23+$0x0] =	vst.idx.msk $0xffff, v15  }
0xbc: {  	v15 =	vld [tilespmem:s9+$0xFFFFFFD0];
	v16 =	vor.u32 $0x3, v17;
	_ =	sdelay $0x1  }
0xbd: {  	s12 =	sadd.s32 $0xFFFFFFE0, s11  }
0xbe: {  	v17 =	vmov s12  }
0xbf: {  	v17 =	vshll.u32 v17, $0x3  }
0xc0: {  	[tilespmem:v16+s23+$0x0] =	vst.idx.msk $0xffff, v15;
	v15 =	vor.u32 v14, v17  }
0xc1: {  	v16 =	vld [tilespmem:s9+$0xFFFFFFE0];
	v15 =	vor.u32 $0x3, v15;
	_ =	sdelay $0x1  }
0xc2: {  	s12 =	sadd.s32 $0xFFFFFFF0, s11  }
0xc3: {  	v17 =	vmov s12  }
0xc4: {  	v17 =	vshll.u32 v17, $0x3  }
0xc5: {  	[tilespmem:v15+s23+$0x0] =	vst.idx.msk $0xffff, v16;
	v15 =	vor.u32 v14, v17  }
0xc6: {  	v16 =	vld [tilespmem:s9+$0xFFFFFFF0];
	v15 =	vor.u32 $0x3, v15;
	_ =	sdelay $0x2  }
.Ltmp3:
0xc7: {  	v17 =	vmov s11;
	(pc) =	sbr.rel @p0 .LBB2_8-.Ltmp3, $4  }
0xc8: {  	v17 =	vshll.u32 v17, $0x3  }
0xc9: {  	[tilespmem:v15+s23+$0x0] =	vst.idx.msk $0xffff, v16;
	v16 =	vor.u32 v14, v17  }
0xca: {  	v15 =	vld [tilespmem:s9+$0x0];
	v16 =	vor.u32 $0x3, v16  }
0xcb: {  	s11 =	sadd.s32 $0x40, s11  }
0xcc: {  	_ =	sdelay $0x3  }
0xcd: {  	s9 =	rddreg [dreg:$0x8];
	[tilespmem:v16+s23+$0x0] =	vst.idx.msk $0xffff, v15  }
0xce: {  	[spmem:s9] =	stream.linear.scatter [tilespmem:s23], [sflag:$0xA], $0x6400, $0x38;
	[tilespmem:$0x1E6D0] =	vst v63  }
0xcf: {  	_ =	swait.ge [sflag:s24], $0x6400  }
0xd0: {  	s13 =	simm.s32 $0x68D0;
	[sflag:s24] =	ssyncset.done $0x0  }
0xd1: {  	s9 =	simm.s32 $0x0;
	s10 =	rddreg [dreg:$0x9];
	[sflag:s24] =	ssyncadd.s32 $0xFFFF9C00  }
0xd2: {  	[tilespmem:s13], [sflag:$0x9] =	stream.linear.gather [hbm4b:s10+s9], $0xC80, $0x38;
	[tilespmem:$0x1E6D0] =	vst v63  }
0xd3: {  	s11 =	rddreg [dreg:$0xa]  }
0xd4: {  	[tilespmem:s14], [sflag:$0x9] =	stream.linear.gather [hbm4b:s11+s9], $0xC80, $0x38;
	[tilespmem:$0x1E6D0] =	vst v63  }
0xd5: {  	s12 =	rddreg [dreg:$0xb];
	s11 =	simm.s32 $0x81D0  }
0xd6: {  	[tilespmem:s11], [sflag:$0x9] =	stream.linear.gather [hbm4b:s12+s9], $0xC80, $0x38;
	[tilespmem:$0x1E6D0] =	vst v63  }
0xd7: {  	s11 =	rddreg [dreg:$0xc];
	s12 =	simm.s32 $0x8E50  }
0xd8: {  	[tilespmem:s12], [sflag:$0x9] =	stream.linear.gather [hbm4b:s11+s9], $0xC80, $0x38;
	[tilespmem:$0x1E6D0] =	vst v63  }
0xd9: {  	_ =	swait.ge [sflag:s22], $0xC80  }
0xda: {  	[sflag:s22] =	ssyncset.done $0x0  }
0xdb: {  	[sflag:s22] =	ssyncadd.s32 $0xFFFFF380  }
0xdc: {  	_ =	swait.ge [sflag:s22], $0xC80  }
0xdd: {  	[sflag:s22] =	ssyncset.done $0x0  }
0xde: {  	[sflag:s22] =	ssyncadd.s32 $0xFFFFF380  }
0xdf: {  	_ =	swait.ge [sflag:s22], $0xC80  }
0xe0: {  	[sflag:s22] =	ssyncset.done $0x0  }
0xe1: {  	[sflag:s22] =	ssyncadd.s32 $0xFFFFF380  }
0xe2: {  	_ =	swait.ge [sflag:s22], $0xC80  }
0xe3: {  	v15 =	vmov s9;
	[sflag:s22] =	ssyncset.done $0x0  }
0xe4: {  	v15 =	vshll.u32 v15, $0x3;
	s9 =	simm.s32 $0x68F0;
	[sflag:s22] =	ssyncadd.s32 $0xFFFFF380  }
0xe5: {  	v15 =	vor.u32 v14, v15;
	v16 =	vld [tilespmem:s9+$0xFFFFFFE0];
	_ =	sdelay $0x2  }
0xe6: {  	s12 =	simm.s32 $0x10  }
0xe7: {  	v17 =	vmov s12  }
0xe8: {  	[tilespmem:v15+s23+$0x0] =	vst.idx.msk $0xffff, v16;
	v15 =	vshll.u32 v17, $0x3  }
0xe9: {  	v16 =	vld [tilespmem:s9+$0xFFFFFFF0];
	v15 =	vor.u32 v14, v15;
	_ =	sdelay $0x2  }
0xea: {  	s11 =	simm.s32 $0x20  }
0xeb: {  	v17 =	vmov s11  }
0xec: {  	[tilespmem:v15+s23+$0x0] =	vst.idx.msk $0xffff, v16;
	v15 =	vshll.u32 v17, $0x3  }
0xed: {  	v16 =	vld [tilespmem:s9+$0x0];
	v15 =	vor.u32 v14, v15;
	_ =	sdelay $0x2  }
0xee: {  	s12 =	simm.s32 $0x30  }
0xef: {  	v17 =	vmov s12  }
0xf0: {  	[tilespmem:v15+s23+$0x0] =	vst.idx.msk $0xffff, v16;
	v16 =	vshll.u32 v17, $0x3  }
0xf1: {  	v15 =	vld [tilespmem:s9+$0x10];
	v16 =	vor.u32 v14, v16;
	_ =	sdelay $0x2  }
0xf2: {  	s10 =	simm.s32 $0x0;
	s11 =	simm.s32 $0x40  }
.LBB2_10:
0xf3: {  	v17 =	vmov s11;
	s10 =	sadd.s32 $0x4, s10  }
0xf4: {  	s9 =	sadd.s32 $0x40, s9;
	v17 =	vshll.u32 v17, $0x3;
	p0 =	slt.u32 s10, $0xC4;
	[tilespmem:v16+s23+$0x0] =	vst.idx.msk $0xffff, v15  }
0xf5: {  	v15 =	vld [tilespmem:s9+$0xFFFFFFE0];
	v16 =	vor.u32 v14, v17;
	_ =	sdelay $0x2  }
0xf6: {  	s12 =	sadd.s32 $0x10, s11  }
0xf7: {  	v17 =	vmov s12  }
0xf8: {  	[tilespmem:v16+s23+$0x0] =	vst.idx.msk $0xffff, v15;
	v15 =	vshll.u32 v17, $0x3  }
0xf9: {  	v16 =	vld [tilespmem:s9+$0xFFFFFFF0];
	v15 =	vor.u32 v14, v15;
	_ =	sdelay $0x2  }
0xfa: {  	s12 =	sadd.s32 $0x20, s11  }
0xfb: {  	v17 =	vmov s12  }
0xfc: {  	[tilespmem:v15+s23+$0x0] =	vst.idx.msk $0xffff, v16;
	v15 =	vshll.u32 v17, $0x3  }
0xfd: {  	v16 =	vld [tilespmem:s9+$0x0];
	v15 =	vor.u32 v14, v15;
	_ =	sdelay $0x2  }
0xfe: {  	s12 =	sadd.s32 $0x30, s11  }
0xff: {  	v17 =	vmov s12  }
.Ltmp4:
0x100: {  	[tilespmem:v15+s23+$0x0] =	vst.idx.msk $0xffff, v16;
	v16 =	vshll.u32 v17, $0x3;
	(pc) =	sbr.rel @p0 .LBB2_10-.Ltmp4, $2  }
0x101: {  	v15 =	vld [tilespmem:s9+$0x10];
	v16 =	vor.u32 v14, v16;
	_ =	sdelay $0x2  }
0x102: {  	s11 =	sadd.s32 $0x40, s11  }
0x103: {  	_ = 	snop  }
0x104: {  	s9 =	simm.s32 $0x0  }
0x105: {  	v17 =	vmov s9  }
0x106: {  	v17 =	vshll.u32 v17, $0x3  }
0x107: {  	s9 =	simm.s32 $0x7580;
	[tilespmem:v16+s23+$0x0] =	vst.idx.msk $0xffff, v15;
	v15 =	vor.u32 v14, v17  }
0x108: {  	v16 =	vld [tilespmem:s9+$0xFFFFFFD0];
	v17 =	vor.u32 $0x1, v15;
	_ =	sdelay $0x1  }
0x109: {  	s10 =	simm.s32 $0x10  }
0x10a: {  	v18 =	vmov s10  }
0x10b: {  	v18 =	vshll.u32 v18, $0x3  }
0x10c: {  	[tilespmem:v17+s23+$0x0] =	vst.idx.msk $0xffff, v16;
	v16 =	vor.u32 v14, v18  }
0x10d: {  	v17 =	vld [tilespmem:s9+$0xFFFFFFE0];
	v18 =	vor.u32 $0x1, v16;
	_ =	sdelay $0x1  }
0x10e: {  	s11 =	simm.s32 $0x20  }
0x10f: {  	v19 =	vmov s11  }
0x110: {  	v19 =	vshll.u32 v19, $0x3  }
0x111: {  	[tilespmem:v18+s23+$0x0] =	vst.idx.msk $0xffff, v17;
	v17 =	vor.u32 v14, v19  }
0x112: {  	v18 =	vld [tilespmem:s9+$0xFFFFFFF0];
	v19 =	vor.u32 $0x1, v17;
	_ =	sdelay $0x1  }
0x113: {  	s12 =	simm.s32 $0x30  }
0x114: {  	v20 =	vmov s12  }
0x115: {  	v20 =	vshll.u32 v20, $0x3  }
0x116: {  	[tilespmem:v19+s23+$0x0] =	vst.idx.msk $0xffff, v18;
	v18 =	vor.u32 v14, v20  }
0x117: {  	v19 =	vld [tilespmem:s9+$0x0];
	v20 =	vor.u32 $0x1, v18  }
0x118: {  	s10 =	simm.s32 $0x0;
	s11 =	simm.s32 $0x70  }
.LBB2_12:
0x119: {  	s12 =	sadd.s32 $0xFFFFFFD0, s11;
	s10 =	sadd.s32 $0x4, s10  }
0x11a: {  	v21 =	vmov s12;
	p0 =	slt.u32 s10, $0xC4  }
0x11b: {  	v21 =	vshll.u32 v21, $0x3  }
0x11c: {  	s9 =	sadd.s32 $0x40, s9;
	v21 =	vor.u32 v14, v21;
	[tilespmem:v20+s23+$0x0] =	vst.idx.msk $0xffff, v19  }
0x11d: {  	v19 =	vld [tilespmem:s9+$0xFFFFFFD0];
	v20 =	vor.u32 $0x1, v21;
	_ =	sdelay $0x1  }
0x11e: {  	s12 =	sadd.s32 $0xFFFFFFE0, s11  }
0x11f: {  	v21 =	vmov s12  }
0x120: {  	v21 =	vshll.u32 v21, $0x3  }
0x121: {  	[tilespmem:v20+s23+$0x0] =	vst.idx.msk $0xffff, v19;
	v19 =	vor.u32 v14, v21  }
0x122: {  	v20 =	vld [tilespmem:s9+$0xFFFFFFE0];
	v19 =	vor.u32 $0x1, v19;
	_ =	sdelay $0x1  }
0x123: {  	s12 =	sadd.s32 $0xFFFFFFF0, s11  }
0x124: {  	v21 =	vmov s12  }
0x125: {  	v21 =	vshll.u32 v21, $0x3  }
0x126: {  	[tilespmem:v19+s23+$0x0] =	vst.idx.msk $0xffff, v20;
	v19 =	vor.u32 v14, v21  }
0x127: {  	v20 =	vld [tilespmem:s9+$0xFFFFFFF0];
	v19 =	vor.u32 $0x1, v19;
	_ =	sdelay $0x2  }
.Ltmp5:
0x128: {  	v21 =	vmov s11;
	(pc) =	sbr.rel @p0 .LBB2_12-.Ltmp5, $4  }
0x129: {  	v21 =	vshll.u32 v21, $0x3  }
0x12a: {  	[tilespmem:v19+s23+$0x0] =	vst.idx.msk $0xffff, v20;
	v20 =	vor.u32 v14, v21  }
0x12b: {  	v19 =	vld [tilespmem:s9+$0x0];
	v20 =	vor.u32 $0x1, v20  }
0x12c: {  	s11 =	sadd.s32 $0x40, s11  }
0x12d: {  	_ =	sdelay $0x3  }
0x12e: {  	s9 =	simm.s32 $0x8200;
	[tilespmem:v20+s23+$0x0] =	vst.idx.msk $0xffff, v19  }
0x12f: {  	v15 =	vor.u32 $0x2, v15;
	v19 =	vld [tilespmem:s9+$0xFFFFFFD0];
	_ =	sdelay $0x4  }
0x130: {  	[tilespmem:v15+s23+$0x0] =	vst.idx.msk $0xffff, v19  }
0x131: {  	v16 =	vor.u32 $0x2, v16;
	v15 =	vld [tilespmem:s9+$0xFFFFFFE0];
	_ =	sdelay $0x4  }
0x132: {  	[tilespmem:v16+s23+$0x0] =	vst.idx.msk $0xffff, v15  }
0x133: {  	v16 =	vor.u32 $0x2, v17;
	v15 =	vld [tilespmem:s9+$0xFFFFFFF0];
	_ =	sdelay $0x4  }
0x134: {  	[tilespmem:v16+s23+$0x0] =	vst.idx.msk $0xffff, v15  }
0x135: {  	v16 =	vor.u32 $0x2, v18;
	v15 =	vld [tilespmem:s9+$0x0]  }
0x136: {  	s10 =	simm.s32 $0x0;
	s11 =	simm.s32 $0x70  }
.LBB2_14:
0x137: {  	s12 =	sadd.s32 $0xFFFFFFD0, s11;
	s10 =	sadd.s32 $0x4, s10  }
0x138: {  	v17 =	vmov s12;
	p0 =	slt.u32 s10, $0xC4  }
0x139: {  	v17 =	vshll.u32 v17, $0x3  }
0x13a: {  	s9 =	sadd.s32 $0x40, s9;
	v17 =	vor.u32 v14, v17;
	[tilespmem:v16+s23+$0x0] =	vst.idx.msk $0xffff, v15  }
0x13b: {  	v15 =	vld [tilespmem:s9+$0xFFFFFFD0];
	v16 =	vor.u32 $0x2, v17;
	_ =	sdelay $0x1  }
0x13c: {  	s12 =	sadd.s32 $0xFFFFFFE0, s11  }
0x13d: {  	v17 =	vmov s12  }
0x13e: {  	v17 =	vshll.u32 v17, $0x3  }
0x13f: {  	[tilespmem:v16+s23+$0x0] =	vst.idx.msk $0xffff, v15;
	v15 =	vor.u32 v14, v17  }
0x140: {  	v16 =	vld [tilespmem:s9+$0xFFFFFFE0];
	v15 =	vor.u32 $0x2, v15;
	_ =	sdelay $0x1  }
0x141: {  	s12 =	sadd.s32 $0xFFFFFFF0, s11  }
0x142: {  	v17 =	vmov s12  }
0x143: {  	v17 =	vshll.u32 v17, $0x3  }
0x144: {  	[tilespmem:v15+s23+$0x0] =	vst.idx.msk $0xffff, v16;
	v15 =	vor.u32 v14, v17  }
0x145: {  	v16 =	vld [tilespmem:s9+$0xFFFFFFF0];
	v15 =	vor.u32 $0x2, v15;
	_ =	sdelay $0x2  }
.Ltmp6:
0x146: {  	v17 =	vmov s11;
	(pc) =	sbr.rel @p0 .LBB2_14-.Ltmp6, $4  }
0x147: {  	v17 =	vshll.u32 v17, $0x3  }
0x148: {  	[tilespmem:v15+s23+$0x0] =	vst.idx.msk $0xffff, v16;
	v16 =	vor.u32 v14, v17  }
0x149: {  	v15 =	vld [tilespmem:s9+$0x0];
	v16 =	vor.u32 $0x2, v16  }
0x14a: {  	s11 =	sadd.s32 $0x40, s11  }
0x14b: {  	_ = 	snop  }
0x14c: {  	s9 =	simm.s32 $0x0  }
0x14d: {  	v17 =	vmov s9  }
0x14e: {  	v17 =	vshll.u32 v17, $0x3  }
0x14f: {  	s9 =	simm.s32 $0x8E80;
	[tilespmem:v16+s23+$0x0] =	vst.idx.msk $0xffff, v15;
	v15 =	vor.u32 v14, v17  }
0x150: {  	v16 =	vld [tilespmem:s9+$0xFFFFFFD0];
	v15 =	vor.u32 $0x3, v15;
	_ =	sdelay $0x1  }
0x151: {  	s10 =	simm.s32 $0x10  }
0x152: {  	v17 =	vmov s10  }
0x153: {  	v17 =	vshll.u32 v17, $0x3  }
0x154: {  	[tilespmem:v15+s23+$0x0] =	vst.idx.msk $0xffff, v16;
	v15 =	vor.u32 v14, v17  }
0x155: {  	v16 =	vld [tilespmem:s9+$0xFFFFFFE0];
	v15 =	vor.u32 $0x3, v15;
	_ =	sdelay $0x1  }
0x156: {  	s11 =	simm.s32 $0x20  }
0x157: {  	v17 =	vmov s11  }
0x158: {  	v17 =	vshll.u32 v17, $0x3  }
0x159: {  	[tilespmem:v15+s23+$0x0] =	vst.idx.msk $0xffff, v16;
	v15 =	vor.u32 v14, v17  }
0x15a: {  	v16 =	vld [tilespmem:s9+$0xFFFFFFF0];
	v15 =	vor.u32 $0x3, v15;
	_ =	sdelay $0x1  }
0x15b: {  	s12 =	simm.s32 $0x30  }
0x15c: {  	v17 =	vmov s12  }
0x15d: {  	v17 =	vshll.u32 v17, $0x3  }
0x15e: {  	[tilespmem:v15+s23+$0x0] =	vst.idx.msk $0xffff, v16;
	v16 =	vor.u32 v14, v17  }
0x15f: {  	v15 =	vld [tilespmem:s9+$0x0];
	v16 =	vor.u32 $0x3, v16  }
0x160: {  	s10 =	simm.s32 $0x0;
	s11 =	simm.s32 $0x70  }
.LBB2_16:
0x161: {  	s12 =	sadd.s32 $0xFFFFFFD0, s11;
	s10 =	sadd.s32 $0x4, s10  }
0x162: {  	v17 =	vmov s12;
	p0 =	slt.u32 s10, $0xC4  }
0x163: {  	v17 =	vshll.u32 v17, $0x3  }
0x164: {  	s9 =	sadd.s32 $0x40, s9;
	v17 =	vor.u32 v14, v17;
	[tilespmem:v16+s23+$0x0] =	vst.idx.msk $0xffff, v15  }
0x165: {  	v15 =	vld [tilespmem:s9+$0xFFFFFFD0];
	v16 =	vor.u32 $0x3, v17;
	_ =	sdelay $0x1  }
0x166: {  	s12 =	sadd.s32 $0xFFFFFFE0, s11  }
0x167: {  	v17 =	vmov s12  }
0x168: {  	v17 =	vshll.u32 v17, $0x3  }
0x169: {  	[tilespmem:v16+s23+$0x0] =	vst.idx.msk $0xffff, v15;
	v15 =	vor.u32 v14, v17  }
0x16a: {  	v16 =	vld [tilespmem:s9+$0xFFFFFFE0];
	v15 =	vor.u32 $0x3, v15;
	_ =	sdelay $0x1  }
0x16b: {  	s12 =	sadd.s32 $0xFFFFFFF0, s11  }
0x16c: {  	v17 =	vmov s12  }
0x16d: {  	v17 =	vshll.u32 v17, $0x3  }
0x16e: {  	[tilespmem:v15+s23+$0x0] =	vst.idx.msk $0xffff, v16;
	v15 =	vor.u32 v14, v17  }
0x16f: {  	v16 =	vld [tilespmem:s9+$0xFFFFFFF0];
	v15 =	vor.u32 $0x3, v15;
	_ =	sdelay $0x2  }
.Ltmp7:
0x170: {  	v17 =	vmov s11;
	(pc) =	sbr.rel @p0 .LBB2_16-.Ltmp7, $4  }
0x171: {  	v17 =	vshll.u32 v17, $0x3  }
0x172: {  	[tilespmem:v15+s23+$0x0] =	vst.idx.msk $0xffff, v16;
	v16 =	vor.u32 v14, v17  }
0x173: {  	v15 =	vld [tilespmem:s9+$0x0];
	v16 =	vor.u32 $0x3, v16  }
0x174: {  	s11 =	sadd.s32 $0x40, s11  }
0x175: {  	_ =	sdelay $0x3  }
0x176: {  	s9 =	rddreg [dreg:$0xd];
	[tilespmem:v16+s23+$0x0] =	vst.idx.msk $0xffff, v15  }
0x177: {  	[spmem:s9] =	stream.linear.scatter [tilespmem:s23], [sflag:$0xA], $0x6400, $0x38;
	[tilespmem:$0x1E6D0] =	vst v63  }
0x178: {  	_ =	swait.ge [sflag:s24], $0x6400  }
0x179: {  	[sflag:s24] =	ssyncset.done $0x0  }
0x17a: {  	[sflag:s24] =	ssyncadd.s32 $0xFFFF9C00  }
0x17b: {  	[bflag:$0x0] =	sbarrier.arrive $0xFFFF  }
0x17c: {  	_ =	swait.ge [sflag:s25], $0x6800  }
0x17d: {  	[sflag:s25] =	ssyncset.done $0x0  }
0x17e: {  	s12 =	simm.s32 $0xD0;
	[sflag:s25] =	ssyncadd.s32 $0xFFFF9800  }
0x17f: {  	[tilespmem:s28], [sflag:$0x1] =	stream.indirect.gather [spmem:s1], $0x8, s12, s26, $0xb8;
	[tilespmem:$0x1E6D0] =	vst v63  }
0x180: {  	s10 =	simm.s32 $0x150  }
0x181: {  	[tilespmem:s30], [sflag:$0x2] =	stream.indirect.gather [spmem:s1], $0x8, s10, s26, $0xb8;
	[tilespmem:$0x1E6D0] =	vst v63  }
0x182: {  	s11 =	simm.s32 $0x1D0  }
0x183: {  	[tilespmem:s0], [sflag:$0x3] =	stream.indirect.gather [spmem:s1], $0x8, s11, s26, $0xb8;
	[tilespmem:$0x1E6D0] =	vst v63  }
0x184: {  	s10 =	simm.s32 $0x250  }
0x185: {  	[tilespmem:s29], [sflag:$0x4] =	stream.indirect.gather [spmem:s1], $0x8, s10, s26, $0xb8;
	[tilespmem:$0x1E6D0] =	vst v63  }
0x186: {  	s11 =	simm.s32 $0x2D0  }
0x187: {  	[tilespmem:s3], [sflag:$0x5] =	stream.indirect.gather [spmem:s1], $0x8, s11, s26, $0xb8;
	[tilespmem:$0x1E6D0] =	vst v63  }
0x188: {  	s10 =	simm.s32 $0x350  }
0x189: {  	[tilespmem:s31], [sflag:$0x6] =	stream.indirect.gather [spmem:s1], $0x8, s10, s26, $0xb8;
	[tilespmem:$0x1E6D0] =	vst v63  }
0x18a: {  	s11 =	simm.s32 $0x3D0  }
0x18b: {  	[tilespmem:s4], [sflag:$0x7] =	stream.indirect.gather [spmem:s1], $0x8, s11, s26, $0xb8;
	[tilespmem:$0x1E6D0] =	vst v63  }
0x18c: {  	s10 =	simm.s32 $0x450  }
0x18d: {  	[tilespmem:s5], [sflag:$0x8] =	stream.indirect.gather [spmem:s1], $0x8, s10, s26, $0xb8;
	[tilespmem:$0x1E6D0] =	vst v63  }
0x18e: {  	_ =	swait.ge [sflag:s25], $0x400  }
0x18f: {  	[sflag:s25] =	ssyncset.done $0x0  }
0x190: {  	s11 =	simm.s32 $0x4D0;
	[sflag:s25] =	ssyncadd.s32 $0xFFFFFC00  }
0x191: {  	[tilespmem:s28], [sflag:$0x1] =	stream.indirect.gather.add.f32 [spmem:s1], $0x8, s11, s26, $0xb8;
	[tilespmem:$0x1E6D0] =	vst v63  }
0x192: {  	_ =	swait.ge [sflag:s6], $0x400  }
0x193: {  	[sflag:s6] =	ssyncset.done $0x0  }
0x194: {  	s10 =	simm.s32 $0x550;
	[sflag:s6] =	ssyncadd.s32 $0xFFFFFC00  }
0x195: {  	[tilespmem:s30], [sflag:$0x2] =	stream.indirect.gather.add.f32 [spmem:s1], $0x8, s10, s26, $0xb8;
	[tilespmem:$0x1E6D0] =	vst v63  }
0x196: {  	_ =	swait.ge [sflag:s17], $0x400  }
0x197: {  	[sflag:s17] =	ssyncset.done $0x0  }
0x198: {  	s11 =	simm.s32 $0x5D0;
	[sflag:s17] =	ssyncadd.s32 $0xFFFFFC00  }
0x199: {  	[tilespmem:s0], [sflag:$0x3] =	stream.indirect.gather.add.f32 [spmem:s1], $0x8, s11, s26, $0xb8;
	[tilespmem:$0x1E6D0] =	vst v63  }
0x19a: {  	_ =	swait.ge [sflag:s7], $0x400  }
0x19b: {  	[sflag:s7] =	ssyncset.done $0x0  }
0x19c: {  	s10 =	simm.s32 $0x650;
	[sflag:s7] =	ssyncadd.s32 $0xFFFFFC00  }
0x19d: {  	[tilespmem:s29], [sflag:$0x4] =	stream.indirect.gather.add.f32 [spmem:s1], $0x8, s10, s26, $0xb8;
	[tilespmem:$0x1E6D0] =	vst v63  }
0x19e: {  	_ =	swait.ge [sflag:s18], $0x400  }
0x19f: {  	[sflag:s18] =	ssyncset.done $0x0  }
0x1a0: {  	s11 =	simm.s32 $0x6D0;
	[sflag:s18] =	ssyncadd.s32 $0xFFFFFC00  }
0x1a1: {  	[tilespmem:s3], [sflag:$0x5] =	stream.indirect.gather.add.f32 [spmem:s1], $0x8, s11, s26, $0xb8;
	[tilespmem:$0x1E6D0] =	vst v63  }
0x1a2: {  	_ =	swait.ge [sflag:s19], $0x400  }
0x1a3: {  	[sflag:s19] =	ssyncset.done $0x0  }
0x1a4: {  	s10 =	simm.s32 $0x750;
	[sflag:s19] =	ssyncadd.s32 $0xFFFFFC00  }
0x1a5: {  	[tilespmem:s31], [sflag:$0x6] =	stream.indirect.gather.add.f32 [spmem:s1], $0x8, s10, s26, $0xb8;
	[tilespmem:$0x1E6D0] =	vst v63  }
0x1a6: {  	_ =	swait.ge [sflag:s8], $0x400  }
0x1a7: {  	[sflag:s8] =	ssyncset.done $0x0  }
0x1a8: {  	s11 =	simm.s32 $0x7D0;
	[sflag:s8] =	ssyncadd.s32 $0xFFFFFC00  }
0x1a9: {  	[tilespmem:s4], [sflag:$0x7] =	stream.indirect.gather.add.f32 [spmem:s1], $0x8, s11, s26, $0xb8;
	[tilespmem:$0x1E6D0] =	vst v63  }
0x1aa: {  	_ =	swait.ge [sflag:s20], $0x400  }
0x1ab: {  	[sflag:s20] =	ssyncset.done $0x0  }
0x1ac: {  	s9 =	simm.s32 $0x1000;
	s10 =	simm.s32 $0x850;
	[sflag:s20] =	ssyncadd.s32 $0xFFFFFC00  }
.LBB2_18:
0x1ad: {  	[tilespmem:s5], [sflag:$0x8] =	stream.indirect.gather.add.f32 [spmem:s1], $0x8, s10, s26, $0xb8;
	[tilespmem:$0x1E6D0] =	vst v63  }
0x1ae: {  	s10 =	smov.u32 s9  }
0x1af: {  	p0 =	sne.s32 s9, $0x17000;
	s9 =	sadd.s32 $0x1000, s9;
	_ =	swait.ge [sflag:s25], $0x400  }
0x1b0: {  	s10 =	sshra.s32 s10, $0x2;
	[sflag:s25] =	ssyncset.done $0x0  }
0x1b1: {  	s11 =	sadd.s32 $0x4D0, s10;
	[sflag:s25] =	ssyncadd.s32 $0xFFFFFC00  }
0x1b2: {  	[tilespmem:s28], [sflag:$0x1] =	stream.indirect.gather.add.f32 [spmem:s1], $0x8, s11, s26, $0xb8;
	[tilespmem:$0x1E6D0] =	vst v63  }
0x1b3: {  	_ =	swait.ge [sflag:s6], $0x400  }
0x1b4: {  	[sflag:s6] =	ssyncset.done $0x0  }
0x1b5: {  	s11 =	sadd.s32 $0x550, s10;
	[sflag:s6] =	ssyncadd.s32 $0xFFFFFC00  }
0x1b6: {  	[tilespmem:s30], [sflag:$0x2] =	stream.indirect.gather.add.f32 [spmem:s1], $0x8, s11, s26, $0xb8;
	[tilespmem:$0x1E6D0] =	vst v63  }
0x1b7: {  	_ =	swait.ge [sflag:s17], $0x400  }
0x1b8: {  	[sflag:s17] =	ssyncset.done $0x0  }
0x1b9: {  	s11 =	sadd.s32 $0x5D0, s10;
	[sflag:s17] =	ssyncadd.s32 $0xFFFFFC00  }
0x1ba: {  	[tilespmem:s0], [sflag:$0x3] =	stream.indirect.gather.add.f32 [spmem:s1], $0x8, s11, s26, $0xb8;
	[tilespmem:$0x1E6D0] =	vst v63  }
0x1bb: {  	_ =	swait.ge [sflag:s7], $0x400  }
0x1bc: {  	[sflag:s7] =	ssyncset.done $0x0  }
0x1bd: {  	s11 =	sadd.s32 $0x650, s10;
	[sflag:s7] =	ssyncadd.s32 $0xFFFFFC00  }
0x1be: {  	[tilespmem:s29], [sflag:$0x4] =	stream.indirect.gather.add.f32 [spmem:s1], $0x8, s11, s26, $0xb8;
	[tilespmem:$0x1E6D0] =	vst v63  }
0x1bf: {  	_ =	swait.ge [sflag:s18], $0x400  }
0x1c0: {  	[sflag:s18] =	ssyncset.done $0x0  }
0x1c1: {  	s11 =	sadd.s32 $0x6D0, s10;
	[sflag:s18] =	ssyncadd.s32 $0xFFFFFC00  }
0x1c2: {  	[tilespmem:s3], [sflag:$0x5] =	stream.indirect.gather.add.f32 [spmem:s1], $0x8, s11, s26, $0xb8;
	[tilespmem:$0x1E6D0] =	vst v63  }
0x1c3: {  	_ =	swait.ge [sflag:s19], $0x400  }
0x1c4: {  	[sflag:s19] =	ssyncset.done $0x0  }
0x1c5: {  	s11 =	sadd.s32 $0x750, s10;
	[sflag:s19] =	ssyncadd.s32 $0xFFFFFC00  }
0x1c6: {  	[tilespmem:s31], [sflag:$0x6] =	stream.indirect.gather.add.f32 [spmem:s1], $0x8, s11, s26, $0xb8;
	[tilespmem:$0x1E6D0] =	vst v63  }
0x1c7: {  	_ =	swait.ge [sflag:s8], $0x400  }
0x1c8: {  	[sflag:s8] =	ssyncset.done $0x0  }
.Ltmp8:
0x1c9: {  	s11 =	sadd.s32 $0x7D0, s10;
	[sflag:s8] =	ssyncadd.s32 $0xFFFFFC00;
	(pc) =	sbr.rel @p0 .LBB2_18-.Ltmp8, $4  }
0x1ca: {  	[tilespmem:s4], [sflag:$0x7] =	stream.indirect.gather.add.f32 [spmem:s1], $0x8, s11, s26, $0xb8;
	[tilespmem:$0x1E6D0] =	vst v63  }
0x1cb: {  	_ =	swait.ge [sflag:s20], $0x400  }
0x1cc: {  	[sflag:s20] =	ssyncset.done $0x0  }
0x1cd: {  	s10 =	sadd.s32 $0x850, s10;
	[sflag:s20] =	ssyncadd.s32 $0xFFFFFC00  }
0x1ce: {  	[tilespmem:s5], [sflag:$0x8] =	stream.indirect.gather.add.f32 [spmem:s1], $0x8, s10, s26, $0xb8;
	[tilespmem:$0x1E6D0] =	vst v63  }
0x1cf: {  	_ =	swait.ge [sflag:s25], $0x400  }
0x1d0: {  	[sflag:s25] =	ssyncset.done $0x0  }
0x1d1: {  	[sflag:s25] =	ssyncadd.s32 $0xFFFFFC00  }
0x1d2: {  	_ =	swait.ge [sflag:s6], $0x400  }
0x1d3: {  	[sflag:s6] =	ssyncset.done $0x0  }
0x1d4: {  	[sflag:s6] =	ssyncadd.s32 $0xFFFFFC00  }
0x1d5: {  	_ =	swait.ge [sflag:s17], $0x400  }
0x1d6: {  	[sflag:s17] =	ssyncset.done $0x0  }
0x1d7: {  	[sflag:s17] =	ssyncadd.s32 $0xFFFFFC00  }
0x1d8: {  	_ =	swait.ge [sflag:s7], $0x400  }
0x1d9: {  	[sflag:s7] =	ssyncset.done $0x0  }
0x1da: {  	[sflag:s7] =	ssyncadd.s32 $0xFFFFFC00  }
0x1db: {  	_ =	swait.ge [sflag:s18], $0x400  }
0x1dc: {  	[sflag:s18] =	ssyncset.done $0x0  }
0x1dd: {  	[sflag:s18] =	ssyncadd.s32 $0xFFFFFC00  }
0x1de: {  	_ =	swait.ge [sflag:s19], $0x400  }
0x1df: {  	[sflag:s19] =	ssyncset.done $0x0  }
0x1e0: {  	[sflag:s19] =	ssyncadd.s32 $0xFFFFFC00  }
0x1e1: {  	s9 =	simm.s32 $0x0;
	_ =	swait.ge [sflag:s8], $0x400  }
0x1e2: {  	v15 =	vor.u32 s9, v0;
	[sflag:s8] =	ssyncset.done $0x0  }
0x1e3: {  	[sflag:s8] =	ssyncadd.s32 $0xFFFFFC00  }
0x1e4: {  	_ =	swait.ge [sflag:s20], $0x400  }
0x1e5: {  	[sflag:s20] =	ssyncset.done $0x0  }
0x1e6: {  	[sflag:s20] =	ssyncadd.s32 $0xFFFFFC00  }
0x1e7: {  	v16 =	vld.idx.msk [tilespmem:v15+s30+$0x0], $0xffff  }
0x1e8: {  	v17 =	vld.idx.msk [tilespmem:v15+s28+$0x0], $0xffff;
	_ =	sdelay $0x1  }
0x1e9: {  	v18 =	vld.idx.msk [tilespmem:v15+s0+$0x0], $0xffff;
	_ =	sdelay $0x1  }
0x1ea: {  	v19 =	vld.idx.msk [tilespmem:v15+s29+$0x0], $0xffff  }
0x1eb: {  	v16 =	vadd.f32 v16, v17  }
0x1ec: {  	v17 =	vld.idx.msk [tilespmem:v15+s3+$0x0], $0xffff  }
0x1ed: {  	v16 =	vadd.f32 v18, v16  }
0x1ee: {  	v18 =	vld.idx.msk [tilespmem:v15+s31+$0x0], $0xffff  }
0x1ef: {  	v16 =	vadd.f32 v19, v16  }
0x1f0: {  	v19 =	vld.idx.msk [tilespmem:v15+s4+$0x0], $0xffff  }
0x1f1: {  	v16 =	vadd.f32 v17, v16  }
0x1f2: {  	v17 =	vld.idx.msk [tilespmem:v15+s5+$0x0], $0xffff  }
0x1f3: {  	v18 =	vadd.f32 v18, v16;
	_ =	sdelay $0x1  }
0x1f4: {  	s11 =	simm.s32 $0x10;
	v18 =	vadd.f32 v19, v18  }
0x1f5: {  	s9 =	simm.s32 $0x20;
	v16 =	vor.u32 s11, v0  }
.LBB2_20:
0x1f6: {  	p0 =	sne.s32 s9, $0x3F0;
	v17 =	vadd.f32 v17, v18;
	_ =	sdelay $0x1  }
0x1f7: {  	[tilespmem:v15+s28+$0x0] =	vst.idx.msk $0xffff, v17;
	v15 =	vmov v16  }
0x1f8: {  	v17 =	vld.idx.msk [tilespmem:v16+s30+$0x0], $0xffff  }
0x1f9: {  	v18 =	vld.idx.msk [tilespmem:v16+s28+$0x0], $0xffff;
	_ =	sdelay $0x1  }
0x1fa: {  	v16 =	vld.idx.msk [tilespmem:v16+s0+$0x0], $0xffff;
	_ =	sdelay $0x1  }
0x1fb: {  	v19 =	vld.idx.msk [tilespmem:v15+s29+$0x0], $0xffff;
	_ =	sdelay $0x1  }
0x1fc: {  	v17 =	vadd.f32 v17, v18;
	v18 =	vld.idx.msk [tilespmem:v15+s3+$0x0], $0xffff;
	_ =	sdelay $0x1  }
0x1fd: {  	v16 =	vadd.f32 v16, v17;
	v20 =	vld.idx.msk [tilespmem:v15+s31+$0x0], $0xffff;
	_ =	sdelay $0x1  }
0x1fe: {  	v16 =	vadd.f32 v19, v16;
	v19 =	vld.idx.msk [tilespmem:v15+s4+$0x0], $0xffff;
	_ =	sdelay $0x1  }
0x1ff: {  	v16 =	vadd.f32 v18, v16;
	v17 =	vld.idx.msk [tilespmem:v15+s5+$0x0], $0xffff  }
.Ltmp9:
0x200: {  	(pc) =	sbr.rel @p0 .LBB2_20-.Ltmp9, $3  }
0x201: {  	v18 =	vadd.f32 v20, v16;
	_ =	sdelay $0x1  }
0x202: {  	v16 =	vor.u32 s9, v0;
	v18 =	vadd.f32 v19, v18  }
0x203: {  	s9 =	sadd.s32 $0x10, s9  }
0x204: {  	_ =	sdelay $0x1  }
0x205: {  	v17 =	vadd.f32 v17, v18;
	_ =	sdelay $0x1  }
0x206: {  	[tilespmem:v15+s28+$0x0] =	vst.idx.msk $0xffff, v17  }
0x207: {  	v15 =	vld.idx.msk [tilespmem:v16+s30+$0x0], $0xffff  }
0x208: {  	v17 =	vld.idx.msk [tilespmem:v16+s28+$0x0], $0xffff;
	_ =	sdelay $0x1  }
0x209: {  	v59 =	vld.idx.msk [tilespmem:v16+s0+$0x0], $0xffff;
	_ =	sdelay $0x1  }
0x20a: {  	v19 =	vld.idx.msk [tilespmem:v16+s29+$0x0], $0xffff  }
0x20b: {  	v15 =	vadd.f32 v15, v17  }
0x20c: {  	v60 =	vld.idx.msk [tilespmem:v16+s3+$0x0], $0xffff  }
0x20d: {  	v15 =	vadd.f32 v59, v15  }
0x20e: {  	v61 =	vld.idx.msk [tilespmem:v16+s31+$0x0], $0xffff  }
0x20f: {  	v15 =	vadd.f32 v19, v15  }
0x210: {  	v62 =	vld.idx.msk [tilespmem:v16+s4+$0x0], $0xffff  }
0x211: {  	v15 =	vadd.f32 v60, v15  }
0x212: {  	v63 =	vld.idx.msk [tilespmem:v16+s5+$0x0], $0xffff  }
0x213: {  	v15 =	vadd.f32 v61, v15;
	_ =	sdelay $0x1  }
0x214: {  	v15 =	vadd.f32 v62, v15;
	_ =	sdelay $0x1  }
0x215: {  	s21 =	sadd.s32 $0x1, s21;
	v15 =	vadd.f32 v63, v15  }
0x216: {  	p0 =	sne.s32 s21, s16  }
.Ltmp10:
0x217: {  	[tilespmem:v16+s28+$0x0] =	vst.idx.msk $0xffff, v15;
	(pc) =	sbr.rel @p0 .LBB2_1-.Ltmp10, $4  }
0x218: {  	[hbm4b:s15+s2] =	stream.linear.scatter [tilespmem:s28], [sflag:$0xA], $0x400, $0x38;
	[tilespmem:$0x1E6D0] =	vst v63  }
0x219: {  	_ =	swait.ge [sflag:s24], $0x400  }
0x21a: {  	[sflag:s24] =	ssyncset.done $0x0  }
0x21b: {  	[sflag:s24] =	ssyncadd.s32 $0xFFFFFC00  }
0x21c: {  	_ =	sfence.sel $0x180000  }
0x21d: {  	[bflag:$0x0] =	sbarrier.arrive $0xFFFF  }
0x21e: {  	_ =	strace $0x90000047  }
0x21f: {  	s0 =	stileid.u32;
	[bflag:$0x2] =	sbarrier.arrive $0xFFFF  }
0x220: {  	p0 =	sne.s32 s0, $0x0;
	s0 =	rddreg [dreg:$0x2]  }
0x221: {  	s0 =	sadd.s32 @!p0 $0x100000, s0  }
0x222: {  	[sflag:s0] =	ssyncadd.tile.s32 @!p0 $0x1;
	_ =	shalt  }
.Lfunc_end2:
_tile_overlayer_lowered:
.L_overlay_start_2:
0x223: {  	(tag) =	ssettag $0x2  }
0x224: {  	s0 =	rddreg [dreg:$0x0];
	s2 =	stileid.u32  }
0x225: {  	s1 =	rddreg [dreg:$0x1];
	p0 =	sne.s32 s2, $0x0  }
0x226: {  	s3 =	rddreg [dreg:$0x2];
	[bflag:$0x3] =	sbarrier.arrive $0xFFFF;
	s2 =	simm.s32 @!p0 $0x1C0A  }
0x227: {  	[timem:s3], [sflag:s2] =	dma.local @!p0 [hbm:s0], s1  }
0x228: {  	s0 =	simm.s32 @!p0 $0xA  }
0x229: {  	_ =	swait.ge @!p0 [sflag:s0], s1  }
0x22a: {  	s1 =	ssub.s32 @!p0 $0x0, s1;
	[sflag:s0] =	ssyncset.done @!p0 $0x0  }
0x22b: {  	[sflag:s0] =	ssyncadd.s32 @!p0 s1  }
0x22c: {  	[bflag:$0x3] =	sbarrier.arrive $0xFFFF  }
0x22d: {  	_ =	shalt  }

</sc_bundles>
